<compile_context>
chip_gen: v7x
topology: tpu7x:2x2x1
jax: 0.10.2.dev20260603
libtpu: 0.0.44.dev20260713+nightly
codegen_flags: <defaults>
</compile_context>

<pallas_src>
import functools

import jax
import jax.numpy as jnp
from jax import lax
from jax.experimental import pallas as pl
from jax.experimental.pallas import tpu as pltpu
from jax.experimental.pallas import tpu_sc as plsc

NUM_EMB = 100000
DIM = 64
N_IDX = 204800
N_BAGS = 4096

NC = 2
NS = 16
LANES = 16
NW = NC * NS
PER_W = N_IDX // NW
CHUNK = 128
NCHUNK = PER_W // CHUNK
BAGS_PER_S = N_BAGS // NS


def _sc_body(input2d, offsets, weight, out, idx_v, seg_v, offs_v, rows_v,
             zbuf, acc, sem):
    c = lax.axis_index("c")
    s = lax.axis_index("s")
    wid = c * NS + s

    z16 = jnp.zeros((LANES,), jnp.float32)

    def _zero(i, _):
        for col in range(DIM // LANES):
            zbuf[i, pl.ds(col * LANES, LANES)] = z16
        return 0

    lax.fori_loop(0, BAGS_PER_S, _zero, 0)
    pltpu.sync_copy(zbuf, acc.at[pl.ds(s * BAGS_PER_S, BAGS_PER_S)])

    pltpu.sync_copy(input2d.at[wid], idx_v)
    pltpu.sync_copy(offsets, offs_v)

    plsc.subcore_barrier()

    base = wid * PER_W
    lane = lax.iota(jnp.int32, LANES)

    pltpu.async_copy(weight.at[idx_v.at[0]], rows_v.at[0], sem)

    def _accum(j, _):
        nxt = j + 1

        @pl.when(nxt < NCHUNK)
        def _fire():
            pltpu.async_copy(weight.at[idx_v.at[nxt]], rows_v.at[nxt % 2],
                             sem)

        for k in range(CHUNK // LANES):
            p = base + j * CHUNK + k * LANES + lane
            lo = jnp.zeros((LANES,), jnp.int32)
            step = N_BAGS // 2
            while step >= 1:
                cand = lo + step
                inb = cand <= N_BAGS - 1
                candc = jnp.where(inb, cand, N_BAGS - 1)
                vals = plsc.load_gather(offs_v, (candc,))
                ok = jnp.logical_and(inb, vals <= p)
                lo = jnp.where(ok, cand, lo)
                step //= 2
            seg_v[j, pl.ds(k * LANES, LANES)] = lo

        pltpu.make_async_copy(weight.at[idx_v.at[j]], rows_v.at[j % 2],
                              sem).wait()
        pltpu.sync_copy(rows_v.at[j % 2], acc.at[seg_v.at[j]], add=True)
        return 0

    lax.fori_loop(0, NCHUNK, _accum, 0)

    plsc.subcore_barrier()

    sl = pl.ds(s * BAGS_PER_S, BAGS_PER_S)
    pltpu.sync_copy(acc.at[sl], out.at[c, sl])


_sc_embedding_sum = functools.partial(
    pl.kernel,
    out_type=jax.ShapeDtypeStruct((NC, N_BAGS, DIM), jnp.float32),
    mesh=plsc.VectorSubcoreMesh(
        core_axis_name="c", subcore_axis_name="s", num_cores=NC,
        num_subcores=NS),
    compiler_params=pltpu.CompilerParams(
        needs_layout_passes=False, use_tc_tiling_on_sc=False),
    scratch_types=[
        pltpu.VMEM((NCHUNK, CHUNK), jnp.int32),
        pltpu.VMEM((NCHUNK, CHUNK), jnp.int32),
        pltpu.VMEM((N_BAGS,), jnp.int32),
        pltpu.VMEM((2, CHUNK, DIM), jnp.float32),
        pltpu.VMEM((BAGS_PER_S, DIM), jnp.float32),
        pltpu.VMEM_SHARED((N_BAGS, DIM), jnp.float32),
        pltpu.SemaphoreType.DMA,
    ],
)(_sc_body)


def _tc_add(p_ref, o_ref):
    o_ref[...] = p_ref[0] + p_ref[1]


_combine = pl.pallas_call(
    _tc_add,
    out_shape=jax.ShapeDtypeStruct((N_BAGS, DIM), jnp.float32),
)


@jax.jit
def kernel(input, offsets, weight):
    input2d = input.reshape(NW, NCHUNK, CHUNK)
    partials = _sc_embedding_sum(input2d, offsets, weight)
    return _combine(partials)

# --- scband reference (transcript-rebuilt; emitter-appended) ---
"""Pipeline reference for scband-embedding-sum-38646115729648 (READ-ONLY COPY).

The authoritative reference and input builder live on the scoring server;
editing this copy changes nothing except your own understanding.
"""

import jax, jax.numpy as jnp
import numpy as np

NUM_EMBEDDINGS = 100000
EMBEDDING_DIM = 64
N_INDICES = 204800
N_BAGS = 4096


def setup_inputs(seed: int = 0) -> dict:
    key = jax.random.key(seed)
    k1, k2, k3 = jax.random.split(key, 3)
    inp = jax.random.randint(k1, (N_INDICES,), 0, NUM_EMBEDDINGS, dtype=jnp.int32)
    offsets = jnp.sort(jax.random.randint(k2, (N_BAGS,), 0, N_INDICES, dtype=jnp.int32))
    offsets = offsets.at[0].set(0)  # first bag must start at 0 (EmbeddingBag convention)
    weight = jax.random.normal(k3, (NUM_EMBEDDINGS, EMBEDDING_DIM), dtype=jnp.float32)
    return {"input": inp, "offsets": offsets, "weight": weight}


def reference(input, offsets, weight):
    # EmbeddingSum: gather embeddings then sum within each bag delimited by offsets.
    # Equivalent to nn.EmbeddingBag(mode='sum') with max_norm=None.
    n = input.shape[0]
    num_bags = offsets.shape[0]
    positions = jnp.arange(n, dtype=offsets.dtype)
    # segment id of each index position: which bag it belongs to
    segment_ids = jnp.searchsorted(offsets, positions, side='right') - 1
    emb = jnp.take(weight, input, axis=0)  # [N, D] gather
    out = jax.ops.segment_sum(emb, segment_ids, num_segments=num_bags)  # [B, D]
    return out

if __name__ == "__main__":
    import jax
    _d = setup_inputs()
    print(jax.jit(kernel)(*tuple(_d.values())))

</pallas_src>

<mosaic_0001>
#map = affine_map<(d0, d1) -> (0, 0, 0)>
#map1 = affine_map<(d0, d1) -> (0)>
#map2 = affine_map<(d0, d1) -> (0, 0)>
module attributes {stable_mosaic.version = 14 : i64} {
  func.func @_sc_body(%arg0: i32, %arg1: i32, %arg2: memref<32x50x128xi32, #tpu.memory_space<hbm>>, %arg3: memref<4096xi32, #tpu.memory_space<hbm>>, %arg4: memref<100000x64xf32, #tpu.memory_space<hbm>>, %arg5: memref<2x4096x64xf32, #tpu.memory_space<hbm>>, %arg6: memref<50x128xi32, #tpu.memory_space<vmem>>, %arg7: memref<50x128xi32, #tpu.memory_space<vmem>>, %arg8: memref<4096xi32, #tpu.memory_space<vmem>>, %arg9: memref<2x128x64xf32, #tpu.memory_space<vmem>>, %arg10: memref<256x64xf32, #tpu.memory_space<vmem>>, %arg11: memref<4096x64xf32, #tpu.memory_space<vmem_shared>>, %arg12: memref<!tpu.dma_semaphore, #tpu.memory_space<semaphore_mem>>) attributes {dimension_semantics = [#tpu.dimension_semantics<core_parallel>, #tpu.dimension_semantics<subcore_parallel>], iteration_bounds = array<i64: 2, 16>, scalar_prefetch = 0 : i64, scratch_operands = 7 : i64, tpu.core_type = #tpu.core_type<sc_vector_subcore>, window_params = [{transform_indices = #map}, {transform_indices = #map1}, {transform_indices = #map2}, {transform_indices = #map}]} {
    %mul3A = arith.constant 16 : i32
    %mul3A_0 = arith.muli %arg0, %mul3A : i32
    %add3A = arith.addi %mul3A_0, %arg1 : i32
    %broadcast_in_dim3A = arith.constant 0.000000e+00 : f32
    %broadcast_in_dim3A_1 = vector.broadcast %broadcast_in_dim3A : f32 to vector<16xf32>
    %scan3A = arith.constant 0 : i32
    %scan3A_2 = arith.constant 0 : i32
    %scan3A_3 = arith.constant 256 : i32
    %scan3A_4 = arith.addi %scan3A_2, %scan3A_3 : i32
    %scan3A_5 = arith.constant 1 : i32
    %scan3A_6 = scf.for %scan3A_33 = %scan3A_2 to %scan3A_4 step %scan3A_5 iter_args(%scan3A_34 = %scan3A) -> (i32)  : i32 {
      %swap3A = arith.index_cast %scan3A_33 : i32 to index
      %swap3A_35 = arith.constant 0 : index
      %swap3A_36 = tpu.vector_load %arg10[%swap3A, %swap3A_35] {strides = array<i32>} : memref<256x64xf32, #tpu.memory_space<vmem>>, vector<16xf32>,
      tpu.vector_store %arg10[%swap3A, %swap3A_35], %broadcast_in_dim3A_1 {strides = array<i32>} : memref<256x64xf32, #tpu.memory_space<vmem>>, vector<16xf32>,
      %swap3A_37 = arith.index_cast %scan3A_33 : i32 to index
      %swap3A_38 = arith.constant 16 : index
      %swap3A_39 = tpu.vector_load %arg10[%swap3A_37, %swap3A_38] {strides = array<i32>} : memref<256x64xf32, #tpu.memory_space<vmem>>, vector<16xf32>,
      tpu.vector_store %arg10[%swap3A_37, %swap3A_38], %broadcast_in_dim3A_1 {strides = array<i32>} : memref<256x64xf32, #tpu.memory_space<vmem>>, vector<16xf32>,
      %swap3A_40 = arith.index_cast %scan3A_33 : i32 to index
      %swap3A_41 = arith.constant 32 : index
      %swap3A_42 = tpu.vector_load %arg10[%swap3A_40, %swap3A_41] {strides = array<i32>} : memref<256x64xf32, #tpu.memory_space<vmem>>, vector<16xf32>,
      tpu.vector_store %arg10[%swap3A_40, %swap3A_41], %broadcast_in_dim3A_1 {strides = array<i32>} : memref<256x64xf32, #tpu.memory_space<vmem>>, vector<16xf32>,
      %swap3A_43 = arith.index_cast %scan3A_33 : i32 to index
      %swap3A_44 = arith.constant 48 : index
      %swap3A_45 = tpu.vector_load %arg10[%swap3A_43, %swap3A_44] {strides = array<i32>} : memref<256x64xf32, #tpu.memory_space<vmem>>, vector<16xf32>,
      tpu.vector_store %arg10[%swap3A_43, %swap3A_44], %broadcast_in_dim3A_1 {strides = array<i32>} : memref<256x64xf32, #tpu.memory_space<vmem>>, vector<16xf32>,
      %scan3A_46 = arith.constant 0 : i32
      scf.yield %scan3A_46 : i32
    }
    %scan3A_7 = arith.constant 256 : i32
    %mul3A_8 = arith.constant 256 : i32
    %mul3A_9 = arith.muli %arg1, %mul3A_8 : i32
    "tpu.region"() ({
      %run_scoped3A = tpu.sem_alloc : memref<!tpu.dma_semaphore, #tpu.memory_space<semaphore_mem>>
      %dma_start3A_33 = arith.constant 0 : i32
      %dma_start3A_34 = tpu.memref_slice %arg11[%mul3A_9, %dma_start3A_33] : memref<4096x64xf32, #tpu.memory_space<vmem_shared>> -> memref<256x64xf32, #tpu.memory_space<vmem_shared>>
      %dma_start3A_35 = arith.constant 0 : i32
      %dma_start3A_36 = tpu.memref_slice %arg11[%mul3A_9, %dma_start3A_35] : memref<4096x64xf32, #tpu.memory_space<vmem_shared>> -> memref<256x64xf32, #tpu.memory_space<vmem_shared>>
      tpu.enqueue_dma source(%arg10 : memref<256x64xf32, #tpu.memory_space<vmem>>) target(%dma_start3A_36 : memref<256x64xf32, #tpu.memory_space<vmem_shared>>) target_semaphore(%run_scoped3A : memref<!tpu.dma_semaphore, #tpu.memory_space<semaphore_mem>>)
      %dma_wait3A = arith.constant 0 : i32
      %dma_wait3A_37 = tpu.memref_slice %arg11[%mul3A_9, %dma_wait3A] : memref<4096x64xf32, #tpu.memory_space<vmem_shared>> -> memref<256x64xf32, #tpu.memory_space<vmem_shared>>
      %dma_wait3A_38 = arith.constant 0 : i32
      %dma_wait3A_39 = tpu.memref_slice %arg11[%mul3A_9, %dma_wait3A_38] : memref<4096x64xf32, #tpu.memory_space<vmem_shared>> -> memref<256x64xf32, #tpu.memory_space<vmem_shared>>
      tpu.wait_dma2 semaphore(%run_scoped3A : memref<!tpu.dma_semaphore, #tpu.memory_space<semaphore_mem>>) src(%arg10 : memref<256x64xf32, #tpu.memory_space<vmem>>) dst(%dma_wait3A_39 : memref<256x64xf32, #tpu.memory_space<vmem_shared>>)
      tpu.yield
    }) : () -> ()
    "tpu.region"() ({
      %run_scoped3A = tpu.sem_alloc : memref<!tpu.dma_semaphore, #tpu.memory_space<semaphore_mem>>
      %dma_start3A_33 = arith.constant 0 : i32
      %dma_start3A_34 = arith.constant 0 : i32
      %dma_start3A_35 = tpu.memref_slice %arg2[%add3A, %dma_start3A_33, %dma_start3A_34] : memref<32x50x128xi32, #tpu.memory_space<hbm>> -> memref<1x50x128xi32, #tpu.memory_space<hbm>>
      %dma_start3A_36 = tpu.memref_squeeze %dma_start3A_35 : memref<1x50x128xi32, #tpu.memory_space<hbm>> -> memref<50x128xi32, #tpu.memory_space<hbm>>
      %dma_start3A_37 = arith.constant 0 : i32
      %dma_start3A_38 = arith.constant 0 : i32
      %dma_start3A_39 = tpu.memref_slice %arg2[%add3A, %dma_start3A_37, %dma_start3A_38] : memref<32x50x128xi32, #tpu.memory_space<hbm>> -> memref<1x50x128xi32, #tpu.memory_space<hbm>>
      %dma_start3A_40 = tpu.memref_squeeze %dma_start3A_39 : memref<1x50x128xi32, #tpu.memory_space<hbm>> -> memref<50x128xi32, #tpu.memory_space<hbm>>
      tpu.enqueue_dma source(%dma_start3A_40 : memref<50x128xi32, #tpu.memory_space<hbm>>) target(%arg6 : memref<50x128xi32, #tpu.memory_space<vmem>>) target_semaphore(%run_scoped3A : memref<!tpu.dma_semaphore, #tpu.memory_space<semaphore_mem>>)
      %dma_wait3A = arith.constant 0 : i32
      %dma_wait3A_41 = arith.constant 0 : i32
      %dma_wait3A_42 = tpu.memref_slice %arg2[%add3A, %dma_wait3A, %dma_wait3A_41] : memref<32x50x128xi32, #tpu.memory_space<hbm>> -> memref<1x50x128xi32, #tpu.memory_space<hbm>>
      %dma_wait3A_43 = tpu.memref_squeeze %dma_wait3A_42 : memref<1x50x128xi32, #tpu.memory_space<hbm>> -> memref<50x128xi32, #tpu.memory_space<hbm>>
      %dma_wait3A_44 = arith.constant 0 : i32
      %dma_wait3A_45 = arith.constant 0 : i32
      %dma_wait3A_46 = tpu.memref_slice %arg2[%add3A, %dma_wait3A_44, %dma_wait3A_45] : memref<32x50x128xi32, #tpu.memory_space<hbm>> -> memref<1x50x128xi32, #tpu.memory_space<hbm>>
      %dma_wait3A_47 = tpu.memref_squeeze %dma_wait3A_46 : memref<1x50x128xi32, #tpu.memory_space<hbm>> -> memref<50x128xi32, #tpu.memory_space<hbm>>
      tpu.wait_dma2 semaphore(%run_scoped3A : memref<!tpu.dma_semaphore, #tpu.memory_space<semaphore_mem>>) src(%dma_wait3A_47 : memref<50x128xi32, #tpu.memory_space<hbm>>) dst(%arg6 : memref<50x128xi32, #tpu.memory_space<vmem>>)
      tpu.yield
    }) : () -> ()
    "tpu.region"() ({
      %run_scoped3A = tpu.sem_alloc : memref<!tpu.dma_semaphore, #tpu.memory_space<semaphore_mem>>
      tpu.enqueue_dma source(%arg3 : memref<4096xi32, #tpu.memory_space<hbm>>) target(%arg8 : memref<4096xi32, #tpu.memory_space<vmem>>) target_semaphore(%run_scoped3A : memref<!tpu.dma_semaphore, #tpu.memory_space<semaphore_mem>>)
      tpu.wait_dma2 semaphore(%run_scoped3A : memref<!tpu.dma_semaphore, #tpu.memory_space<semaphore_mem>>) src(%arg3 : memref<4096xi32, #tpu.memory_space<hbm>>) dst(%arg8 : memref<4096xi32, #tpu.memory_space<vmem>>)
      tpu.yield
    }) : () -> ()
    %barrier3A = arith.constant 0 : index
    tpu.barrier barrier_id(%barrier3A)
    %mul3A_10 = arith.constant 6400 : i32
    %mul3A_11 = arith.muli %add3A, %mul3A_10 : i32
    %iota3A = tpu.iota {dimensions = array<i32: 0>} : vector<16xi32>
    %dma_start3A = arith.constant 0 : i32
    %dma_start3A_12 = arith.constant 0 : i32
    %dma_start3A_13 = arith.constant 0 : i32
    %dma_start3A_14 = arith.constant 0 : i32
    %dma_start3A_15 = tpu.memref_slice %arg9[%dma_start3A_12, %dma_start3A_13, %dma_start3A_14] : memref<2x128x64xf32, #tpu.memory_space<vmem>> -> memref<1x128x64xf32, #tpu.memory_space<vmem>>
    %dma_start3A_16 = tpu.memref_squeeze %dma_start3A_15 : memref<1x128x64xf32, #tpu.memory_space<vmem>> -> memref<128x64xf32, #tpu.memory_space<vmem>>
    %dma_start3A_17 = arith.constant 0 : i32
    %dma_start3A_18 = tpu.memref_slice %arg6[%dma_start3A, %dma_start3A_17] : memref<50x128xi32, #tpu.memory_space<vmem>> -> memref<1x128xi32, #tpu.memory_space<vmem>>
    %dma_start3A_19 = tpu.memref_squeeze %dma_start3A_18 : memref<1x128xi32, #tpu.memory_space<vmem>> -> memref<128xi32, #tpu.memory_space<vmem>>
    %dma_start3A_20 = arith.constant 0 : i32
    %dma_start3A_21 = arith.constant 0 : i32
    %dma_start3A_22 = tpu.memref_slice %arg4[%dma_start3A_20, %dma_start3A_21] : memref<100000x64xf32, #tpu.memory_space<hbm>> -> memref<100000x64xf32, #tpu.memory_space<hbm>>
    tpu.enqueue_indirect_dma source(%dma_start3A_22 : memref<100000x64xf32, #tpu.memory_space<hbm>>) target(%dma_start3A_16 : memref<128x64xf32, #tpu.memory_space<vmem>>) offsets(%dma_start3A_19 : memref<128xi32, #tpu.memory_space<vmem>>) semaphore(%arg12 : memref<!tpu.dma_semaphore, #tpu.memory_space<semaphore_mem>>)
    %scan3A_23 = arith.constant 0 : i32
    %scan3A_24 = arith.constant 0 : i32
    %scan3A_25 = arith.constant 50 : i32
    %scan3A_26 = arith.addi %scan3A_24, %scan3A_25 : i32
    %scan3A_27 = arith.constant 1 : i32
    %scan3A_28 = scf.for %scan3A_33 = %scan3A_24 to %scan3A_26 step %scan3A_27 iter_args(%scan3A_34 = %scan3A_23) -> (i32)  : i32 {
      %add3A_35 = arith.constant 1 : i32
      %add3A_36 = arith.addi %scan3A_33, %add3A_35 : i32
      %lt3A = arith.constant 50 : i32
      %lt3A_37 = arith.cmpi slt, %add3A_36, %lt3A : i32
      %convert_element_type3A = arith.extui %lt3A_37 : i1 to i32
      %cond3A = arith.constant 0 : i32
      %cond3A_38 = arith.cmpi ne, %convert_element_type3A, %cond3A : i32
      scf.if %cond3A_38 {
        %jit3A_1416 = arith.constant 2 : i32
        %eq3A_1417 = arith.constant 0 : i32
        %eq3A_1418 = arith.cmpi eq, %jit3A_1416, %eq3A_1417 : i32
        %jit3A_1419 = arith.constant 1 : i32
        %select_n3A_1420 = arith.select %eq3A_1418, %jit3A_1419, %jit3A_1416 : i32
        %rem3A_1421 = arith.remsi %add3A_36, %select_n3A_1420 : i32
        %ne3A_1422 = arith.constant 0 : i32
        %ne3A_1423 = arith.cmpi ne, %rem3A_1421, %ne3A_1422 : i32
        %lt3A_1424 = arith.constant 0 : i32
        %lt3A_1425 = arith.cmpi slt, %rem3A_1421, %lt3A_1424 : i32
        %lt3A_1426 = arith.constant 0 : i32
        %lt3A_1427 = arith.cmpi slt, %select_n3A_1420, %lt3A_1426 : i32
        %ne3A_1428 = arith.xori %lt3A_1425, %lt3A_1427 : i1
        %and3A_1429 = arith.andi %ne3A_1428, %ne3A_1423 : i1
        %add3A_1430 = arith.addi %rem3A_1421, %select_n3A_1420 : i32
        %select_n3A_1431 = arith.select %and3A_1429, %add3A_1430, %rem3A_1421 : i32
        %dma_start3A_1432 = arith.constant 0 : i32
        %dma_start3A_1433 = arith.constant 0 : i32
        %dma_start3A_1434 = tpu.memref_slice %arg9[%select_n3A_1431, %dma_start3A_1432, %dma_start3A_1433] : memref<2x128x64xf32, #tpu.memory_space<vmem>> -> memref<1x128x64xf32, #tpu.memory_space<vmem>>
        %dma_start3A_1435 = tpu.memref_squeeze %dma_start3A_1434 : memref<1x128x64xf32, #tpu.memory_space<vmem>> -> memref<128x64xf32, #tpu.memory_space<vmem>>
        %dma_start3A_1436 = arith.constant 0 : i32
        %dma_start3A_1437 = tpu.memref_slice %arg6[%add3A_36, %dma_start3A_1436] : memref<50x128xi32, #tpu.memory_space<vmem>> -> memref<1x128xi32, #tpu.memory_space<vmem>>
        %dma_start3A_1438 = tpu.memref_squeeze %dma_start3A_1437 : memref<1x128xi32, #tpu.memory_space<vmem>> -> memref<128xi32, #tpu.memory_space<vmem>>
        %dma_start3A_1439 = arith.constant 0 : i32
        %dma_start3A_1440 = arith.constant 0 : i32
        %dma_start3A_1441 = tpu.memref_slice %arg4[%dma_start3A_1439, %dma_start3A_1440] : memref<100000x64xf32, #tpu.memory_space<hbm>> -> memref<100000x64xf32, #tpu.memory_space<hbm>>
        tpu.enqueue_indirect_dma source(%dma_start3A_1441 : memref<100000x64xf32, #tpu.memory_space<hbm>>) target(%dma_start3A_1435 : memref<128x64xf32, #tpu.memory_space<vmem>>) offsets(%dma_start3A_1438 : memref<128xi32, #tpu.memory_space<vmem>>) semaphore(%arg12 : memref<!tpu.dma_semaphore, #tpu.memory_space<semaphore_mem>>)
      } else {
      }
      %mul3A_39 = arith.constant 128 : i32
      %mul3A_40 = arith.muli %scan3A_33, %mul3A_39 : i32
      %add3A_41 = arith.addi %mul3A_11, %mul3A_40 : i32
      %add3A_42 = arith.constant 0 : i32
      %add3A_43 = arith.addi %add3A_41, %add3A_42 : i32
      %add3A_44 = vector.broadcast %add3A_43 : i32 to vector<16xi32>
      %add3A_45 = arith.addi %add3A_44, %iota3A : vector<16xi32>
      %broadcast_in_dim3A_46 = arith.constant 0 : i32
      %broadcast_in_dim3A_47 = vector.broadcast %broadcast_in_dim3A_46 : i32 to vector<16xi32>
      %add3A_48 = arith.constant 2048 : i32
      %add3A_49 = vector.broadcast %add3A_48 : i32 to vector<16xi32>
      %add3A_50 = arith.addi %broadcast_in_dim3A_47, %add3A_49 : vector<16xi32>
      %le3A = arith.constant 4095 : i32
      %le3A_51 = vector.broadcast %le3A : i32 to vector<16xi32>
      %le3A_52 = arith.cmpi sle, %add3A_50, %le3A_51 : vector<16xi32>
      %jit3A = arith.constant 4095 : i32
      %broadcast_in_dim3A_53 = vector.broadcast %jit3A : i32 to vector<16xi32>
      %select_n3A = arith.select %le3A_52, %add3A_50, %broadcast_in_dim3A_53 : vector<16xi1>, vector<16xi32>
      %gather3A = tpu.vector_load_idx %arg8[%select_n3A] : memref<4096xi32, #tpu.memory_space<vmem>>[vector<16xi32>], vector<16xi32>,
      %le3A_54 = arith.cmpi sle, %gather3A, %add3A_45 : vector<16xi32>
      %and3A = arith.andi %le3A_52, %le3A_54 : vector<16xi1>
      %select_n3A_55 = arith.select %and3A, %add3A_50, %broadcast_in_dim3A_47 : vector<16xi1>, vector<16xi32>
      %add3A_56 = arith.constant 1024 : i32
      %add3A_57 = vector.broadcast %add3A_56 : i32 to vector<16xi32>
      %add3A_58 = arith.addi %select_n3A_55, %add3A_57 : vector<16xi32>
      %le3A_59 = arith.constant 4095 : i32
      %le3A_60 = vector.broadcast %le3A_59 : i32 to vector<16xi32>
      %le3A_61 = arith.cmpi sle, %add3A_58, %le3A_60 : vector<16xi32>
      %jit3A_62 = arith.constant 4095 : i32
      %broadcast_in_dim3A_63 = vector.broadcast %jit3A_62 : i32 to vector<16xi32>
      %select_n3A_64 = arith.select %le3A_61, %add3A_58, %broadcast_in_dim3A_63 : vector<16xi1>, vector<16xi32>
      %gather3A_65 = tpu.vector_load_idx %arg8[%select_n3A_64] : memref<4096xi32, #tpu.memory_space<vmem>>[vector<16xi32>], vector<16xi32>,
      %le3A_66 = arith.cmpi sle, %gather3A_65, %add3A_45 : vector<16xi32>
      %and3A_67 = arith.andi %le3A_61, %le3A_66 : vector<16xi1>
      %select_n3A_68 = arith.select %and3A_67, %add3A_58, %select_n3A_55 : vector<16xi1>, vector<16xi32>
      %add3A_69 = arith.constant 512 : i32
      %add3A_70 = vector.broadcast %add3A_69 : i32 to vector<16xi32>
      %add3A_71 = arith.addi %select_n3A_68, %add3A_70 : vector<16xi32>
      %le3A_72 = arith.constant 4095 : i32
      %le3A_73 = vector.broadcast %le3A_72 : i32 to vector<16xi32>
      %le3A_74 = arith.cmpi sle, %add3A_71, %le3A_73 : vector<16xi32>
      %jit3A_75 = arith.constant 4095 : i32
      %broadcast_in_dim3A_76 = vector.broadcast %jit3A_75 : i32 to vector<16xi32>
      %select_n3A_77 = arith.select %le3A_74, %add3A_71, %broadcast_in_dim3A_76 : vector<16xi1>, vector<16xi32>
      %gather3A_78 = tpu.vector_load_idx %arg8[%select_n3A_77] : memref<4096xi32, #tpu.memory_space<vmem>>[vector<16xi32>], vector<16xi32>,
      %le3A_79 = arith.cmpi sle, %gather3A_78, %add3A_45 : vector<16xi32>
      %and3A_80 = arith.andi %le3A_74, %le3A_79 : vector<16xi1>
      %select_n3A_81 = arith.select %and3A_80, %add3A_71, %select_n3A_68 : vector<16xi1>, vector<16xi32>
      %add3A_82 = arith.constant 256 : i32
      %add3A_83 = vector.broadcast %add3A_82 : i32 to vector<16xi32>
      %add3A_84 = arith.addi %select_n3A_81, %add3A_83 : vector<16xi32>
      %le3A_85 = arith.constant 4095 : i32
      %le3A_86 = vector.broadcast %le3A_85 : i32 to vector<16xi32>
      %le3A_87 = arith.cmpi sle, %add3A_84, %le3A_86 : vector<16xi32>
      %jit3A_88 = arith.constant 4095 : i32
      %broadcast_in_dim3A_89 = vector.broadcast %jit3A_88 : i32 to vector<16xi32>
      %select_n3A_90 = arith.select %le3A_87, %add3A_84, %broadcast_in_dim3A_89 : vector<16xi1>, vector<16xi32>
      %gather3A_91 = tpu.vector_load_idx %arg8[%select_n3A_90] : memref<4096xi32, #tpu.memory_space<vmem>>[vector<16xi32>], vector<16xi32>,
      %le3A_92 = arith.cmpi sle, %gather3A_91, %add3A_45 : vector<16xi32>
      %and3A_93 = arith.andi %le3A_87, %le3A_92 : vector<16xi1>
      %select_n3A_94 = arith.select %and3A_93, %add3A_84, %select_n3A_81 : vector<16xi1>, vector<16xi32>
      %add3A_95 = arith.constant 128 : i32
      %add3A_96 = vector.broadcast %add3A_95 : i32 to vector<16xi32>
      %add3A_97 = arith.addi %select_n3A_94, %add3A_96 : vector<16xi32>
      %le3A_98 = arith.constant 4095 : i32
      %le3A_99 = vector.broadcast %le3A_98 : i32 to vector<16xi32>
      %le3A_100 = arith.cmpi sle, %add3A_97, %le3A_99 : vector<16xi32>
      %jit3A_101 = arith.constant 4095 : i32
      %broadcast_in_dim3A_102 = vector.broadcast %jit3A_101 : i32 to vector<16xi32>
      %select_n3A_103 = arith.select %le3A_100, %add3A_97, %broadcast_in_dim3A_102 : vector<16xi1>, vector<16xi32>
      %gather3A_104 = tpu.vector_load_idx %arg8[%select_n3A_103] : memref<4096xi32, #tpu.memory_space<vmem>>[vector<16xi32>], vector<16xi32>,
      %le3A_105 = arith.cmpi sle, %gather3A_104, %add3A_45 : vector<16xi32>
      %and3A_106 = arith.andi %le3A_100, %le3A_105 : vector<16xi1>
      %select_n3A_107 = arith.select %and3A_106, %add3A_97, %select_n3A_94 : vector<16xi1>, vector<16xi32>
      %add3A_108 = arith.constant 64 : i32
      %add3A_109 = vector.broadcast %add3A_108 : i32 to vector<16xi32>
      %add3A_110 = arith.addi %select_n3A_107, %add3A_109 : vector<16xi32>
      %le3A_111 = arith.constant 4095 : i32
      %le3A_112 = vector.broadcast %le3A_111 : i32 to vector<16xi32>
      %le3A_113 = arith.cmpi sle, %add3A_110, %le3A_112 : vector<16xi32>
      %jit3A_114 = arith.constant 4095 : i32
      %broadcast_in_dim3A_115 = vector.broadcast %jit3A_114 : i32 to vector<16xi32>
      %select_n3A_116 = arith.select %le3A_113, %add3A_110, %broadcast_in_dim3A_115 : vector<16xi1>, vector<16xi32>
      %gather3A_117 = tpu.vector_load_idx %arg8[%select_n3A_116] : memref<4096xi32, #tpu.memory_space<vmem>>[vector<16xi32>], vector<16xi32>,
      %le3A_118 = arith.cmpi sle, %gather3A_117, %add3A_45 : vector<16xi32>
      %and3A_119 = arith.andi %le3A_113, %le3A_118 : vector<16xi1>
      %select_n3A_120 = arith.select %and3A_119, %add3A_110, %select_n3A_107 : vector<16xi1>, vector<16xi32>
      %add3A_121 = arith.constant 32 : i32
      %add3A_122 = vector.broadcast %add3A_121 : i32 to vector<16xi32>
      %add3A_123 = arith.addi %select_n3A_120, %add3A_122 : vector<16xi32>
      %le3A_124 = arith.constant 4095 : i32
      %le3A_125 = vector.broadcast %le3A_124 : i32 to vector<16xi32>
      %le3A_126 = arith.cmpi sle, %add3A_123, %le3A_125 : vector<16xi32>
      %jit3A_127 = arith.constant 4095 : i32
      %broadcast_in_dim3A_128 = vector.broadcast %jit3A_127 : i32 to vector<16xi32>
      %select_n3A_129 = arith.select %le3A_126, %add3A_123, %broadcast_in_dim3A_128 : vector<16xi1>, vector<16xi32>
      %gather3A_130 = tpu.vector_load_idx %arg8[%select_n3A_129] : memref<4096xi32, #tpu.memory_space<vmem>>[vector<16xi32>], vector<16xi32>,
      %le3A_131 = arith.cmpi sle, %gather3A_130, %add3A_45 : vector<16xi32>
      %and3A_132 = arith.andi %le3A_126, %le3A_131 : vector<16xi1>
      %select_n3A_133 = arith.select %and3A_132, %add3A_123, %select_n3A_120 : vector<16xi1>, vector<16xi32>
      %add3A_134 = arith.constant 16 : i32
      %add3A_135 = vector.broadcast %add3A_134 : i32 to vector<16xi32>
      %add3A_136 = arith.addi %select_n3A_133, %add3A_135 : vector<16xi32>
      %le3A_137 = arith.constant 4095 : i32
      %le3A_138 = vector.broadcast %le3A_137 : i32 to vector<16xi32>
      %le3A_139 = arith.cmpi sle, %add3A_136, %le3A_138 : vector<16xi32>
      %jit3A_140 = arith.constant 4095 : i32
      %broadcast_in_dim3A_141 = vector.broadcast %jit3A_140 : i32 to vector<16xi32>
      %select_n3A_142 = arith.select %le3A_139, %add3A_136, %broadcast_in_dim3A_141 : vector<16xi1>, vector<16xi32>
      %gather3A_143 = tpu.vector_load_idx %arg8[%select_n3A_142] : memref<4096xi32, #tpu.memory_space<vmem>>[vector<16xi32>], vector<16xi32>,
      %le3A_144 = arith.cmpi sle, %gather3A_143, %add3A_45 : vector<16xi32>
      %and3A_145 = arith.andi %le3A_139, %le3A_144 : vector<16xi1>
      %select_n3A_146 = arith.select %and3A_145, %add3A_136, %select_n3A_133 : vector<16xi1>, vector<16xi32>
      %add3A_147 = arith.constant 8 : i32
      %add3A_148 = vector.broadcast %add3A_147 : i32 to vector<16xi32>
      %add3A_149 = arith.addi %select_n3A_146, %add3A_148 : vector<16xi32>
      %le3A_150 = arith.constant 4095 : i32
      %le3A_151 = vector.broadcast %le3A_150 : i32 to vector<16xi32>
      %le3A_152 = arith.cmpi sle, %add3A_149, %le3A_151 : vector<16xi32>
      %jit3A_153 = arith.constant 4095 : i32
      %broadcast_in_dim3A_154 = vector.broadcast %jit3A_153 : i32 to vector<16xi32>
      %select_n3A_155 = arith.select %le3A_152, %add3A_149, %broadcast_in_dim3A_154 : vector<16xi1>, vector<16xi32>
      %gather3A_156 = tpu.vector_load_idx %arg8[%select_n3A_155] : memref<4096xi32, #tpu.memory_space<vmem>>[vector<16xi32>], vector<16xi32>,
      %le3A_157 = arith.cmpi sle, %gather3A_156, %add3A_45 : vector<16xi32>
      %and3A_158 = arith.andi %le3A_152, %le3A_157 : vector<16xi1>
      %select_n3A_159 = arith.select %and3A_158, %add3A_149, %select_n3A_146 : vector<16xi1>, vector<16xi32>
      %add3A_160 = arith.constant 4 : i32
      %add3A_161 = vector.broadcast %add3A_160 : i32 to vector<16xi32>
      %add3A_162 = arith.addi %select_n3A_159, %add3A_161 : vector<16xi32>
      %le3A_163 = arith.constant 4095 : i32
      %le3A_164 = vector.broadcast %le3A_163 : i32 to vector<16xi32>
      %le3A_165 = arith.cmpi sle, %add3A_162, %le3A_164 : vector<16xi32>
      %jit3A_166 = arith.constant 4095 : i32
      %broadcast_in_dim3A_167 = vector.broadcast %jit3A_166 : i32 to vector<16xi32>
      %select_n3A_168 = arith.select %le3A_165, %add3A_162, %broadcast_in_dim3A_167 : vector<16xi1>, vector<16xi32>
      %gather3A_169 = tpu.vector_load_idx %arg8[%select_n3A_168] : memref<4096xi32, #tpu.memory_space<vmem>>[vector<16xi32>], vector<16xi32>,
      %le3A_170 = arith.cmpi sle, %gather3A_169, %add3A_45 : vector<16xi32>
      %and3A_171 = arith.andi %le3A_165, %le3A_170 : vector<16xi1>
      %select_n3A_172 = arith.select %and3A_171, %add3A_162, %select_n3A_159 : vector<16xi1>, vector<16xi32>
      %add3A_173 = arith.constant 2 : i32
      %add3A_174 = vector.broadcast %add3A_173 : i32 to vector<16xi32>
      %add3A_175 = arith.addi %select_n3A_172, %add3A_174 : vector<16xi32>
      %le3A_176 = arith.constant 4095 : i32
      %le3A_177 = vector.broadcast %le3A_176 : i32 to vector<16xi32>
      %le3A_178 = arith.cmpi sle, %add3A_175, %le3A_177 : vector<16xi32>
      %jit3A_179 = arith.constant 4095 : i32
      %broadcast_in_dim3A_180 = vector.broadcast %jit3A_179 : i32 to vector<16xi32>
      %select_n3A_181 = arith.select %le3A_178, %add3A_175, %broadcast_in_dim3A_180 : vector<16xi1>, vector<16xi32>
      %gather3A_182 = tpu.vector_load_idx %arg8[%select_n3A_181] : memref<4096xi32, #tpu.memory_space<vmem>>[vector<16xi32>], vector<16xi32>,
      %le3A_183 = arith.cmpi sle, %gather3A_182, %add3A_45 : vector<16xi32>
      %and3A_184 = arith.andi %le3A_178, %le3A_183 : vector<16xi1>
      %select_n3A_185 = arith.select %and3A_184, %add3A_175, %select_n3A_172 : vector<16xi1>, vector<16xi32>
      %add3A_186 = arith.constant 1 : i32
      %add3A_187 = vector.broadcast %add3A_186 : i32 to vector<16xi32>
      %add3A_188 = arith.addi %select_n3A_185, %add3A_187 : vector<16xi32>
      %le3A_189 = arith.constant 4095 : i32
      %le3A_190 = vector.broadcast %le3A_189 : i32 to vector<16xi32>
      %le3A_191 = arith.cmpi sle, %add3A_188, %le3A_190 : vector<16xi32>
      %jit3A_192 = arith.constant 4095 : i32
      %broadcast_in_dim3A_193 = vector.broadcast %jit3A_192 : i32 to vector<16xi32>
      %select_n3A_194 = arith.select %le3A_191, %add3A_188, %broadcast_in_dim3A_193 : vector<16xi1>, vector<16xi32>
      %gather3A_195 = tpu.vector_load_idx %arg8[%select_n3A_194] : memref<4096xi32, #tpu.memory_space<vmem>>[vector<16xi32>], vector<16xi32>,
      %le3A_196 = arith.cmpi sle, %gather3A_195, %add3A_45 : vector<16xi32>
      %and3A_197 = arith.andi %le3A_191, %le3A_196 : vector<16xi1>
      %select_n3A_198 = arith.select %and3A_197, %add3A_188, %select_n3A_185 : vector<16xi1>, vector<16xi32>
      %swap3A = arith.index_cast %scan3A_33 : i32 to index
      %swap3A_199 = arith.constant 0 : index
      %swap3A_200 = tpu.vector_load %arg7[%swap3A, %swap3A_199] {strides = array<i32>} : memref<50x128xi32, #tpu.memory_space<vmem>>, vector<16xi32>,
      tpu.vector_store %arg7[%swap3A, %swap3A_199], %select_n3A_198 {strides = array<i32>} : memref<50x128xi32, #tpu.memory_space<vmem>>, vector<16xi32>,
      %mul3A_201 = arith.constant 128 : i32
      %mul3A_202 = arith.muli %scan3A_33, %mul3A_201 : i32
      %add3A_203 = arith.addi %mul3A_11, %mul3A_202 : i32
      %add3A_204 = arith.constant 16 : i32
      %add3A_205 = arith.addi %add3A_203, %add3A_204 : i32
      %add3A_206 = vector.broadcast %add3A_205 : i32 to vector<16xi32>
      %add3A_207 = arith.addi %add3A_206, %iota3A : vector<16xi32>
      %broadcast_in_dim3A_208 = arith.constant 0 : i32
      %broadcast_in_dim3A_209 = vector.broadcast %broadcast_in_dim3A_208 : i32 to vector<16xi32>
      %add3A_210 = arith.constant 2048 : i32
      %add3A_211 = vector.broadcast %add3A_210 : i32 to vector<16xi32>
      %add3A_212 = arith.addi %broadcast_in_dim3A_209, %add3A_211 : vector<16xi32>
      %le3A_213 = arith.constant 4095 : i32
      %le3A_214 = vector.broadcast %le3A_213 : i32 to vector<16xi32>
      %le3A_215 = arith.cmpi sle, %add3A_212, %le3A_214 : vector<16xi32>
      %jit3A_216 = arith.constant 4095 : i32
      %broadcast_in_dim3A_217 = vector.broadcast %jit3A_216 : i32 to vector<16xi32>
      %select_n3A_218 = arith.select %le3A_215, %add3A_212, %broadcast_in_dim3A_217 : vector<16xi1>, vector<16xi32>
      %gather3A_219 = tpu.vector_load_idx %arg8[%select_n3A_218] : memref<4096xi32, #tpu.memory_space<vmem>>[vector<16xi32>], vector<16xi32>,
      %le3A_220 = arith.cmpi sle, %gather3A_219, %add3A_207 : vector<16xi32>
      %and3A_221 = arith.andi %le3A_215, %le3A_220 : vector<16xi1>
      %select_n3A_222 = arith.select %and3A_221, %add3A_212, %broadcast_in_dim3A_209 : vector<16xi1>, vector<16xi32>
      %add3A_223 = arith.constant 1024 : i32
      %add3A_224 = vector.broadcast %add3A_223 : i32 to vector<16xi32>
      %add3A_225 = arith.addi %select_n3A_222, %add3A_224 : vector<16xi32>
      %le3A_226 = arith.constant 4095 : i32
      %le3A_227 = vector.broadcast %le3A_226 : i32 to vector<16xi32>
      %le3A_228 = arith.cmpi sle, %add3A_225, %le3A_227 : vector<16xi32>
      %jit3A_229 = arith.constant 4095 : i32
      %broadcast_in_dim3A_230 = vector.broadcast %jit3A_229 : i32 to vector<16xi32>
      %select_n3A_231 = arith.select %le3A_228, %add3A_225, %broadcast_in_dim3A_230 : vector<16xi1>, vector<16xi32>
      %gather3A_232 = tpu.vector_load_idx %arg8[%select_n3A_231] : memref<4096xi32, #tpu.memory_space<vmem>>[vector<16xi32>], vector<16xi32>,
      %le3A_233 = arith.cmpi sle, %gather3A_232, %add3A_207 : vector<16xi32>
      %and3A_234 = arith.andi %le3A_228, %le3A_233 : vector<16xi1>
      %select_n3A_235 = arith.select %and3A_234, %add3A_225, %select_n3A_222 : vector<16xi1>, vector<16xi32>
      %add3A_236 = arith.constant 512 : i32
      %add3A_237 = vector.broadcast %add3A_236 : i32 to vector<16xi32>
      %add3A_238 = arith.addi %select_n3A_235, %add3A_237 : vector<16xi32>
      %le3A_239 = arith.constant 4095 : i32
      %le3A_240 = vector.broadcast %le3A_239 : i32 to vector<16xi32>
      %le3A_241 = arith.cmpi sle, %add3A_238, %le3A_240 : vector<16xi32>
      %jit3A_242 = arith.constant 4095 : i32
      %broadcast_in_dim3A_243 = vector.broadcast %jit3A_242 : i32 to vector<16xi32>
      %select_n3A_244 = arith.select %le3A_241, %add3A_238, %broadcast_in_dim3A_243 : vector<16xi1>, vector<16xi32>
      %gather3A_245 = tpu.vector_load_idx %arg8[%select_n3A_244] : memref<4096xi32, #tpu.memory_space<vmem>>[vector<16xi32>], vector<16xi32>,
      %le3A_246 = arith.cmpi sle, %gather3A_245, %add3A_207 : vector<16xi32>
      %and3A_247 = arith.andi %le3A_241, %le3A_246 : vector<16xi1>
      %select_n3A_248 = arith.select %and3A_247, %add3A_238, %select_n3A_235 : vector<16xi1>, vector<16xi32>
      %add3A_249 = arith.constant 256 : i32
      %add3A_250 = vector.broadcast %add3A_249 : i32 to vector<16xi32>
      %add3A_251 = arith.addi %select_n3A_248, %add3A_250 : vector<16xi32>
      %le3A_252 = arith.constant 4095 : i32
      %le3A_253 = vector.broadcast %le3A_252 : i32 to vector<16xi32>
      %le3A_254 = arith.cmpi sle, %add3A_251, %le3A_253 : vector<16xi32>
      %jit3A_255 = arith.constant 4095 : i32
      %broadcast_in_dim3A_256 = vector.broadcast %jit3A_255 : i32 to vector<16xi32>
      %select_n3A_257 = arith.select %le3A_254, %add3A_251, %broadcast_in_dim3A_256 : vector<16xi1>, vector<16xi32>
      %gather3A_258 = tpu.vector_load_idx %arg8[%select_n3A_257] : memref<4096xi32, #tpu.memory_space<vmem>>[vector<16xi32>], vector<16xi32>,
      %le3A_259 = arith.cmpi sle, %gather3A_258, %add3A_207 : vector<16xi32>
      %and3A_260 = arith.andi %le3A_254, %le3A_259 : vector<16xi1>
      %select_n3A_261 = arith.select %and3A_260, %add3A_251, %select_n3A_248 : vector<16xi1>, vector<16xi32>
      %add3A_262 = arith.constant 128 : i32
      %add3A_263 = vector.broadcast %add3A_262 : i32 to vector<16xi32>
      %add3A_264 = arith.addi %select_n3A_261, %add3A_263 : vector<16xi32>
      %le3A_265 = arith.constant 4095 : i32
      %le3A_266 = vector.broadcast %le3A_265 : i32 to vector<16xi32>
      %le3A_267 = arith.cmpi sle, %add3A_264, %le3A_266 : vector<16xi32>
      %jit3A_268 = arith.constant 4095 : i32
      %broadcast_in_dim3A_269 = vector.broadcast %jit3A_268 : i32 to vector<16xi32>
      %select_n3A_270 = arith.select %le3A_267, %add3A_264, %broadcast_in_dim3A_269 : vector<16xi1>, vector<16xi32>
      %gather3A_271 = tpu.vector_load_idx %arg8[%select_n3A_270] : memref<4096xi32, #tpu.memory_space<vmem>>[vector<16xi32>], vector<16xi32>,
      %le3A_272 = arith.cmpi sle, %gather3A_271, %add3A_207 : vector<16xi32>
      %and3A_273 = arith.andi %le3A_267, %le3A_272 : vector<16xi1>
      %select_n3A_274 = arith.select %and3A_273, %add3A_264, %select_n3A_261 : vector<16xi1>, vector<16xi32>
      %add3A_275 = arith.constant 64 : i32
      %add3A_276 = vector.broadcast %add3A_275 : i32 to vector<16xi32>
      %add3A_277 = arith.addi %select_n3A_274, %add3A_276 : vector<16xi32>
      %le3A_278 = arith.constant 4095 : i32
      %le3A_279 = vector.broadcast %le3A_278 : i32 to vector<16xi32>
      %le3A_280 = arith.cmpi sle, %add3A_277, %le3A_279 : vector<16xi32>
      %jit3A_281 = arith.constant 4095 : i32
      %broadcast_in_dim3A_282 = vector.broadcast %jit3A_281 : i32 to vector<16xi32>
      %select_n3A_283 = arith.select %le3A_280, %add3A_277, %broadcast_in_dim3A_282 : vector<16xi1>, vector<16xi32>
      %gather3A_284 = tpu.vector_load_idx %arg8[%select_n3A_283] : memref<4096xi32, #tpu.memory_space<vmem>>[vector<16xi32>], vector<16xi32>,
      %le3A_285 = arith.cmpi sle, %gather3A_284, %add3A_207 : vector<16xi32>
      %and3A_286 = arith.andi %le3A_280, %le3A_285 : vector<16xi1>
      %select_n3A_287 = arith.select %and3A_286, %add3A_277, %select_n3A_274 : vector<16xi1>, vector<16xi32>
      %add3A_288 = arith.constant 32 : i32
      %add3A_289 = vector.broadcast %add3A_288 : i32 to vector<16xi32>
      %add3A_290 = arith.addi %select_n3A_287, %add3A_289 : vector<16xi32>
      %le3A_291 = arith.constant 4095 : i32
      %le3A_292 = vector.broadcast %le3A_291 : i32 to vector<16xi32>
      %le3A_293 = arith.cmpi sle, %add3A_290, %le3A_292 : vector<16xi32>
      %jit3A_294 = arith.constant 4095 : i32
      %broadcast_in_dim3A_295 = vector.broadcast %jit3A_294 : i32 to vector<16xi32>
      %select_n3A_296 = arith.select %le3A_293, %add3A_290, %broadcast_in_dim3A_295 : vector<16xi1>, vector<16xi32>
      %gather3A_297 = tpu.vector_load_idx %arg8[%select_n3A_296] : memref<4096xi32, #tpu.memory_space<vmem>>[vector<16xi32>], vector<16xi32>,
      %le3A_298 = arith.cmpi sle, %gather3A_297, %add3A_207 : vector<16xi32>
      %and3A_299 = arith.andi %le3A_293, %le3A_298 : vector<16xi1>
      %select_n3A_300 = arith.select %and3A_299, %add3A_290, %select_n3A_287 : vector<16xi1>, vector<16xi32>
      %add3A_301 = arith.constant 16 : i32
      %add3A_302 = vector.broadcast %add3A_301 : i32 to vector<16xi32>
      %add3A_303 = arith.addi %select_n3A_300, %add3A_302 : vector<16xi32>
      %le3A_304 = arith.constant 4095 : i32
      %le3A_305 = vector.broadcast %le3A_304 : i32 to vector<16xi32>
      %le3A_306 = arith.cmpi sle, %add3A_303, %le3A_305 : vector<16xi32>
      %jit3A_307 = arith.constant 4095 : i32
      %broadcast_in_dim3A_308 = vector.broadcast %jit3A_307 : i32 to vector<16xi32>
      %select_n3A_309 = arith.select %le3A_306, %add3A_303, %broadcast_in_dim3A_308 : vector<16xi1>, vector<16xi32>
      %gather3A_310 = tpu.vector_load_idx %arg8[%select_n3A_309] : memref<4096xi32, #tpu.memory_space<vmem>>[vector<16xi32>], vector<16xi32>,
      %le3A_311 = arith.cmpi sle, %gather3A_310, %add3A_207 : vector<16xi32>
      %and3A_312 = arith.andi %le3A_306, %le3A_311 : vector<16xi1>
      %select_n3A_313 = arith.select %and3A_312, %add3A_303, %select_n3A_300 : vector<16xi1>, vector<16xi32>
      %add3A_314 = arith.constant 8 : i32
      %add3A_315 = vector.broadcast %add3A_314 : i32 to vector<16xi32>
      %add3A_316 = arith.addi %select_n3A_313, %add3A_315 : vector<16xi32>
      %le3A_317 = arith.constant 4095 : i32
      %le3A_318 = vector.broadcast %le3A_317 : i32 to vector<16xi32>
      %le3A_319 = arith.cmpi sle, %add3A_316, %le3A_318 : vector<16xi32>
      %jit3A_320 = arith.constant 4095 : i32
      %broadcast_in_dim3A_321 = vector.broadcast %jit3A_320 : i32 to vector<16xi32>
      %select_n3A_322 = arith.select %le3A_319, %add3A_316, %broadcast_in_dim3A_321 : vector<16xi1>, vector<16xi32>
      %gather3A_323 = tpu.vector_load_idx %arg8[%select_n3A_322] : memref<4096xi32, #tpu.memory_space<vmem>>[vector<16xi32>], vector<16xi32>,
      %le3A_324 = arith.cmpi sle, %gather3A_323, %add3A_207 : vector<16xi32>
      %and3A_325 = arith.andi %le3A_319, %le3A_324 : vector<16xi1>
      %select_n3A_326 = arith.select %and3A_325, %add3A_316, %select_n3A_313 : vector<16xi1>, vector<16xi32>
      %add3A_327 = arith.constant 4 : i32
      %add3A_328 = vector.broadcast %add3A_327 : i32 to vector<16xi32>
      %add3A_329 = arith.addi %select_n3A_326, %add3A_328 : vector<16xi32>
      %le3A_330 = arith.constant 4095 : i32
      %le3A_331 = vector.broadcast %le3A_330 : i32 to vector<16xi32>
      %le3A_332 = arith.cmpi sle, %add3A_329, %le3A_331 : vector<16xi32>
      %jit3A_333 = arith.constant 4095 : i32
      %broadcast_in_dim3A_334 = vector.broadcast %jit3A_333 : i32 to vector<16xi32>
      %select_n3A_335 = arith.select %le3A_332, %add3A_329, %broadcast_in_dim3A_334 : vector<16xi1>, vector<16xi32>
      %gather3A_336 = tpu.vector_load_idx %arg8[%select_n3A_335] : memref<4096xi32, #tpu.memory_space<vmem>>[vector<16xi32>], vector<16xi32>,
      %le3A_337 = arith.cmpi sle, %gather3A_336, %add3A_207 : vector<16xi32>
      %and3A_338 = arith.andi %le3A_332, %le3A_337 : vector<16xi1>
      %select_n3A_339 = arith.select %and3A_338, %add3A_329, %select_n3A_326 : vector<16xi1>, vector<16xi32>
      %add3A_340 = arith.constant 2 : i32
      %add3A_341 = vector.broadcast %add3A_340 : i32 to vector<16xi32>
      %add3A_342 = arith.addi %select_n3A_339, %add3A_341 : vector<16xi32>
      %le3A_343 = arith.constant 4095 : i32
      %le3A_344 = vector.broadcast %le3A_343 : i32 to vector<16xi32>
      %le3A_345 = arith.cmpi sle, %add3A_342, %le3A_344 : vector<16xi32>
      %jit3A_346 = arith.constant 4095 : i32
      %broadcast_in_dim3A_347 = vector.broadcast %jit3A_346 : i32 to vector<16xi32>
      %select_n3A_348 = arith.select %le3A_345, %add3A_342, %broadcast_in_dim3A_347 : vector<16xi1>, vector<16xi32>
      %gather3A_349 = tpu.vector_load_idx %arg8[%select_n3A_348] : memref<4096xi32, #tpu.memory_space<vmem>>[vector<16xi32>], vector<16xi32>,
      %le3A_350 = arith.cmpi sle, %gather3A_349, %add3A_207 : vector<16xi32>
      %and3A_351 = arith.andi %le3A_345, %le3A_350 : vector<16xi1>
      %select_n3A_352 = arith.select %and3A_351, %add3A_342, %select_n3A_339 : vector<16xi1>, vector<16xi32>
      %add3A_353 = arith.constant 1 : i32
      %add3A_354 = vector.broadcast %add3A_353 : i32 to vector<16xi32>
      %add3A_355 = arith.addi %select_n3A_352, %add3A_354 : vector<16xi32>
      %le3A_356 = arith.constant 4095 : i32
      %le3A_357 = vector.broadcast %le3A_356 : i32 to vector<16xi32>
      %le3A_358 = arith.cmpi sle, %add3A_355, %le3A_357 : vector<16xi32>
      %jit3A_359 = arith.constant 4095 : i32
      %broadcast_in_dim3A_360 = vector.broadcast %jit3A_359 : i32 to vector<16xi32>
      %select_n3A_361 = arith.select %le3A_358, %add3A_355, %broadcast_in_dim3A_360 : vector<16xi1>, vector<16xi32>
      %gather3A_362 = tpu.vector_load_idx %arg8[%select_n3A_361] : memref<4096xi32, #tpu.memory_space<vmem>>[vector<16xi32>], vector<16xi32>,
      %le3A_363 = arith.cmpi sle, %gather3A_362, %add3A_207 : vector<16xi32>
      %and3A_364 = arith.andi %le3A_358, %le3A_363 : vector<16xi1>
      %select_n3A_365 = arith.select %and3A_364, %add3A_355, %select_n3A_352 : vector<16xi1>, vector<16xi32>
      %swap3A_366 = arith.index_cast %scan3A_33 : i32 to index
      %swap3A_367 = arith.constant 16 : index
      %swap3A_368 = tpu.vector_load %arg7[%swap3A_366, %swap3A_367] {strides = array<i32>} : memref<50x128xi32, #tpu.memory_space<vmem>>, vector<16xi32>,
      tpu.vector_store %arg7[%swap3A_366, %swap3A_367], %select_n3A_365 {strides = array<i32>} : memref<50x128xi32, #tpu.memory_space<vmem>>, vector<16xi32>,
      %mul3A_369 = arith.constant 128 : i32
      %mul3A_370 = arith.muli %scan3A_33, %mul3A_369 : i32
      %add3A_371 = arith.addi %mul3A_11, %mul3A_370 : i32
      %add3A_372 = arith.constant 32 : i32
      %add3A_373 = arith.addi %add3A_371, %add3A_372 : i32
      %add3A_374 = vector.broadcast %add3A_373 : i32 to vector<16xi32>
      %add3A_375 = arith.addi %add3A_374, %iota3A : vector<16xi32>
      %broadcast_in_dim3A_376 = arith.constant 0 : i32
      %broadcast_in_dim3A_377 = vector.broadcast %broadcast_in_dim3A_376 : i32 to vector<16xi32>
      %add3A_378 = arith.constant 2048 : i32
      %add3A_379 = vector.broadcast %add3A_378 : i32 to vector<16xi32>
      %add3A_380 = arith.addi %broadcast_in_dim3A_377, %add3A_379 : vector<16xi32>
      %le3A_381 = arith.constant 4095 : i32
      %le3A_382 = vector.broadcast %le3A_381 : i32 to vector<16xi32>
      %le3A_383 = arith.cmpi sle, %add3A_380, %le3A_382 : vector<16xi32>
      %jit3A_384 = arith.constant 4095 : i32
      %broadcast_in_dim3A_385 = vector.broadcast %jit3A_384 : i32 to vector<16xi32>
      %select_n3A_386 = arith.select %le3A_383, %add3A_380, %broadcast_in_dim3A_385 : vector<16xi1>, vector<16xi32>
      %gather3A_387 = tpu.vector_load_idx %arg8[%select_n3A_386] : memref<4096xi32, #tpu.memory_space<vmem>>[vector<16xi32>], vector<16xi32>,
      %le3A_388 = arith.cmpi sle, %gather3A_387, %add3A_375 : vector<16xi32>
      %and3A_389 = arith.andi %le3A_383, %le3A_388 : vector<16xi1>
      %select_n3A_390 = arith.select %and3A_389, %add3A_380, %broadcast_in_dim3A_377 : vector<16xi1>, vector<16xi32>
      %add3A_391 = arith.constant 1024 : i32
      %add3A_392 = vector.broadcast %add3A_391 : i32 to vector<16xi32>
      %add3A_393 = arith.addi %select_n3A_390, %add3A_392 : vector<16xi32>
      %le3A_394 = arith.constant 4095 : i32
      %le3A_395 = vector.broadcast %le3A_394 : i32 to vector<16xi32>
      %le3A_396 = arith.cmpi sle, %add3A_393, %le3A_395 : vector<16xi32>
      %jit3A_397 = arith.constant 4095 : i32
      %broadcast_in_dim3A_398 = vector.broadcast %jit3A_397 : i32 to vector<16xi32>
      %select_n3A_399 = arith.select %le3A_396, %add3A_393, %broadcast_in_dim3A_398 : vector<16xi1>, vector<16xi32>
      %gather3A_400 = tpu.vector_load_idx %arg8[%select_n3A_399] : memref<4096xi32, #tpu.memory_space<vmem>>[vector<16xi32>], vector<16xi32>,
      %le3A_401 = arith.cmpi sle, %gather3A_400, %add3A_375 : vector<16xi32>
      %and3A_402 = arith.andi %le3A_396, %le3A_401 : vector<16xi1>
      %select_n3A_403 = arith.select %and3A_402, %add3A_393, %select_n3A_390 : vector<16xi1>, vector<16xi32>
      %add3A_404 = arith.constant 512 : i32
      %add3A_405 = vector.broadcast %add3A_404 : i32 to vector<16xi32>
      %add3A_406 = arith.addi %select_n3A_403, %add3A_405 : vector<16xi32>
      %le3A_407 = arith.constant 4095 : i32
      %le3A_408 = vector.broadcast %le3A_407 : i32 to vector<16xi32>
      %le3A_409 = arith.cmpi sle, %add3A_406, %le3A_408 : vector<16xi32>
      %jit3A_410 = arith.constant 4095 : i32
      %broadcast_in_dim3A_411 = vector.broadcast %jit3A_410 : i32 to vector<16xi32>
      %select_n3A_412 = arith.select %le3A_409, %add3A_406, %broadcast_in_dim3A_411 : vector<16xi1>, vector<16xi32>
      %gather3A_413 = tpu.vector_load_idx %arg8[%select_n3A_412] : memref<4096xi32, #tpu.memory_space<vmem>>[vector<16xi32>], vector<16xi32>,
      %le3A_414 = arith.cmpi sle, %gather3A_413, %add3A_375 : vector<16xi32>
      %and3A_415 = arith.andi %le3A_409, %le3A_414 : vector<16xi1>
      %select_n3A_416 = arith.select %and3A_415, %add3A_406, %select_n3A_403 : vector<16xi1>, vector<16xi32>
      %add3A_417 = arith.constant 256 : i32
      %add3A_418 = vector.broadcast %add3A_417 : i32 to vector<16xi32>
      %add3A_419 = arith.addi %select_n3A_416, %add3A_418 : vector<16xi32>
      %le3A_420 = arith.constant 4095 : i32
      %le3A_421 = vector.broadcast %le3A_420 : i32 to vector<16xi32>
      %le3A_422 = arith.cmpi sle, %add3A_419, %le3A_421 : vector<16xi32>
      %jit3A_423 = arith.constant 4095 : i32
      %broadcast_in_dim3A_424 = vector.broadcast %jit3A_423 : i32 to vector<16xi32>
      %select_n3A_425 = arith.select %le3A_422, %add3A_419, %broadcast_in_dim3A_424 : vector<16xi1>, vector<16xi32>
      %gather3A_426 = tpu.vector_load_idx %arg8[%select_n3A_425] : memref<4096xi32, #tpu.memory_space<vmem>>[vector<16xi32>], vector<16xi32>,
      %le3A_427 = arith.cmpi sle, %gather3A_426, %add3A_375 : vector<16xi32>
      %and3A_428 = arith.andi %le3A_422, %le3A_427 : vector<16xi1>
      %select_n3A_429 = arith.select %and3A_428, %add3A_419, %select_n3A_416 : vector<16xi1>, vector<16xi32>
      %add3A_430 = arith.constant 128 : i32
      %add3A_431 = vector.broadcast %add3A_430 : i32 to vector<16xi32>
      %add3A_432 = arith.addi %select_n3A_429, %add3A_431 : vector<16xi32>
      %le3A_433 = arith.constant 4095 : i32
      %le3A_434 = vector.broadcast %le3A_433 : i32 to vector<16xi32>
      %le3A_435 = arith.cmpi sle, %add3A_432, %le3A_434 : vector<16xi32>
      %jit3A_436 = arith.constant 4095 : i32
      %broadcast_in_dim3A_437 = vector.broadcast %jit3A_436 : i32 to vector<16xi32>
      %select_n3A_438 = arith.select %le3A_435, %add3A_432, %broadcast_in_dim3A_437 : vector<16xi1>, vector<16xi32>
      %gather3A_439 = tpu.vector_load_idx %arg8[%select_n3A_438] : memref<4096xi32, #tpu.memory_space<vmem>>[vector<16xi32>], vector<16xi32>,
      %le3A_440 = arith.cmpi sle, %gather3A_439, %add3A_375 : vector<16xi32>
      %and3A_441 = arith.andi %le3A_435, %le3A_440 : vector<16xi1>
      %select_n3A_442 = arith.select %and3A_441, %add3A_432, %select_n3A_429 : vector<16xi1>, vector<16xi32>
      %add3A_443 = arith.constant 64 : i32
      %add3A_444 = vector.broadcast %add3A_443 : i32 to vector<16xi32>
      %add3A_445 = arith.addi %select_n3A_442, %add3A_444 : vector<16xi32>
      %le3A_446 = arith.constant 4095 : i32
      %le3A_447 = vector.broadcast %le3A_446 : i32 to vector<16xi32>
      %le3A_448 = arith.cmpi sle, %add3A_445, %le3A_447 : vector<16xi32>
      %jit3A_449 = arith.constant 4095 : i32
      %broadcast_in_dim3A_450 = vector.broadcast %jit3A_449 : i32 to vector<16xi32>
      %select_n3A_451 = arith.select %le3A_448, %add3A_445, %broadcast_in_dim3A_450 : vector<16xi1>, vector<16xi32>
      %gather3A_452 = tpu.vector_load_idx %arg8[%select_n3A_451] : memref<4096xi32, #tpu.memory_space<vmem>>[vector<16xi32>], vector<16xi32>,
      %le3A_453 = arith.cmpi sle, %gather3A_452, %add3A_375 : vector<16xi32>
      %and3A_454 = arith.andi %le3A_448, %le3A_453 : vector<16xi1>
      %select_n3A_455 = arith.select %and3A_454, %add3A_445, %select_n3A_442 : vector<16xi1>, vector<16xi32>
      %add3A_456 = arith.constant 32 : i32
      %add3A_457 = vector.broadcast %add3A_456 : i32 to vector<16xi32>
      %add3A_458 = arith.addi %select_n3A_455, %add3A_457 : vector<16xi32>
      %le3A_459 = arith.constant 4095 : i32
      %le3A_460 = vector.broadcast %le3A_459 : i32 to vector<16xi32>
      %le3A_461 = arith.cmpi sle, %add3A_458, %le3A_460 : vector<16xi32>
      %jit3A_462 = arith.constant 4095 : i32
      %broadcast_in_dim3A_463 = vector.broadcast %jit3A_462 : i32 to vector<16xi32>
      %select_n3A_464 = arith.select %le3A_461, %add3A_458, %broadcast_in_dim3A_463 : vector<16xi1>, vector<16xi32>
      %gather3A_465 = tpu.vector_load_idx %arg8[%select_n3A_464] : memref<4096xi32, #tpu.memory_space<vmem>>[vector<16xi32>], vector<16xi32>,
      %le3A_466 = arith.cmpi sle, %gather3A_465, %add3A_375 : vector<16xi32>
      %and3A_467 = arith.andi %le3A_461, %le3A_466 : vector<16xi1>
      %select_n3A_468 = arith.select %and3A_467, %add3A_458, %select_n3A_455 : vector<16xi1>, vector<16xi32>
      %add3A_469 = arith.constant 16 : i32
      %add3A_470 = vector.broadcast %add3A_469 : i32 to vector<16xi32>
      %add3A_471 = arith.addi %select_n3A_468, %add3A_470 : vector<16xi32>
      %le3A_472 = arith.constant 4095 : i32
      %le3A_473 = vector.broadcast %le3A_472 : i32 to vector<16xi32>
      %le3A_474 = arith.cmpi sle, %add3A_471, %le3A_473 : vector<16xi32>
      %jit3A_475 = arith.constant 4095 : i32
      %broadcast_in_dim3A_476 = vector.broadcast %jit3A_475 : i32 to vector<16xi32>
      %select_n3A_477 = arith.select %le3A_474, %add3A_471, %broadcast_in_dim3A_476 : vector<16xi1>, vector<16xi32>
      %gather3A_478 = tpu.vector_load_idx %arg8[%select_n3A_477] : memref<4096xi32, #tpu.memory_space<vmem>>[vector<16xi32>], vector<16xi32>,
      %le3A_479 = arith.cmpi sle, %gather3A_478, %add3A_375 : vector<16xi32>
      %and3A_480 = arith.andi %le3A_474, %le3A_479 : vector<16xi1>
      %select_n3A_481 = arith.select %and3A_480, %add3A_471, %select_n3A_468 : vector<16xi1>, vector<16xi32>
      %add3A_482 = arith.constant 8 : i32
      %add3A_483 = vector.broadcast %add3A_482 : i32 to vector<16xi32>
      %add3A_484 = arith.addi %select_n3A_481, %add3A_483 : vector<16xi32>
      %le3A_485 = arith.constant 4095 : i32
      %le3A_486 = vector.broadcast %le3A_485 : i32 to vector<16xi32>
      %le3A_487 = arith.cmpi sle, %add3A_484, %le3A_486 : vector<16xi32>
      %jit3A_488 = arith.constant 4095 : i32
      %broadcast_in_dim3A_489 = vector.broadcast %jit3A_488 : i32 to vector<16xi32>
      %select_n3A_490 = arith.select %le3A_487, %add3A_484, %broadcast_in_dim3A_489 : vector<16xi1>, vector<16xi32>
      %gather3A_491 = tpu.vector_load_idx %arg8[%select_n3A_490] : memref<4096xi32, #tpu.memory_space<vmem>>[vector<16xi32>], vector<16xi32>,
      %le3A_492 = arith.cmpi sle, %gather3A_491, %add3A_375 : vector<16xi32>
      %and3A_493 = arith.andi %le3A_487, %le3A_492 : vector<16xi1>
      %select_n3A_494 = arith.select %and3A_493, %add3A_484, %select_n3A_481 : vector<16xi1>, vector<16xi32>
      %add3A_495 = arith.constant 4 : i32
      %add3A_496 = vector.broadcast %add3A_495 : i32 to vector<16xi32>
      %add3A_497 = arith.addi %select_n3A_494, %add3A_496 : vector<16xi32>
      %le3A_498 = arith.constant 4095 : i32
      %le3A_499 = vector.broadcast %le3A_498 : i32 to vector<16xi32>
      %le3A_500 = arith.cmpi sle, %add3A_497, %le3A_499 : vector<16xi32>
      %jit3A_501 = arith.constant 4095 : i32
      %broadcast_in_dim3A_502 = vector.broadcast %jit3A_501 : i32 to vector<16xi32>
      %select_n3A_503 = arith.select %le3A_500, %add3A_497, %broadcast_in_dim3A_502 : vector<16xi1>, vector<16xi32>
      %gather3A_504 = tpu.vector_load_idx %arg8[%select_n3A_503] : memref<4096xi32, #tpu.memory_space<vmem>>[vector<16xi32>], vector<16xi32>,
      %le3A_505 = arith.cmpi sle, %gather3A_504, %add3A_375 : vector<16xi32>
      %and3A_506 = arith.andi %le3A_500, %le3A_505 : vector<16xi1>
      %select_n3A_507 = arith.select %and3A_506, %add3A_497, %select_n3A_494 : vector<16xi1>, vector<16xi32>
      %add3A_508 = arith.constant 2 : i32
      %add3A_509 = vector.broadcast %add3A_508 : i32 to vector<16xi32>
      %add3A_510 = arith.addi %select_n3A_507, %add3A_509 : vector<16xi32>
      %le3A_511 = arith.constant 4095 : i32
      %le3A_512 = vector.broadcast %le3A_511 : i32 to vector<16xi32>
      %le3A_513 = arith.cmpi sle, %add3A_510, %le3A_512 : vector<16xi32>
      %jit3A_514 = arith.constant 4095 : i32
      %broadcast_in_dim3A_515 = vector.broadcast %jit3A_514 : i32 to vector<16xi32>
      %select_n3A_516 = arith.select %le3A_513, %add3A_510, %broadcast_in_dim3A_515 : vector<16xi1>, vector<16xi32>
      %gather3A_517 = tpu.vector_load_idx %arg8[%select_n3A_516] : memref<4096xi32, #tpu.memory_space<vmem>>[vector<16xi32>], vector<16xi32>,
      %le3A_518 = arith.cmpi sle, %gather3A_517, %add3A_375 : vector<16xi32>
      %and3A_519 = arith.andi %le3A_513, %le3A_518 : vector<16xi1>
      %select_n3A_520 = arith.select %and3A_519, %add3A_510, %select_n3A_507 : vector<16xi1>, vector<16xi32>
      %add3A_521 = arith.constant 1 : i32
      %add3A_522 = vector.broadcast %add3A_521 : i32 to vector<16xi32>
      %add3A_523 = arith.addi %select_n3A_520, %add3A_522 : vector<16xi32>
      %le3A_524 = arith.constant 4095 : i32
      %le3A_525 = vector.broadcast %le3A_524 : i32 to vector<16xi32>
      %le3A_526 = arith.cmpi sle, %add3A_523, %le3A_525 : vector<16xi32>
      %jit3A_527 = arith.constant 4095 : i32
      %broadcast_in_dim3A_528 = vector.broadcast %jit3A_527 : i32 to vector<16xi32>
      %select_n3A_529 = arith.select %le3A_526, %add3A_523, %broadcast_in_dim3A_528 : vector<16xi1>, vector<16xi32>
      %gather3A_530 = tpu.vector_load_idx %arg8[%select_n3A_529] : memref<4096xi32, #tpu.memory_space<vmem>>[vector<16xi32>], vector<16xi32>,
      %le3A_531 = arith.cmpi sle, %gather3A_530, %add3A_375 : vector<16xi32>
      %and3A_532 = arith.andi %le3A_526, %le3A_531 : vector<16xi1>
      %select_n3A_533 = arith.select %and3A_532, %add3A_523, %select_n3A_520 : vector<16xi1>, vector<16xi32>
      %swap3A_534 = arith.index_cast %scan3A_33 : i32 to index
      %swap3A_535 = arith.constant 32 : index
      %swap3A_536 = tpu.vector_load %arg7[%swap3A_534, %swap3A_535] {strides = array<i32>} : memref<50x128xi32, #tpu.memory_space<vmem>>, vector<16xi32>,
      tpu.vector_store %arg7[%swap3A_534, %swap3A_535], %select_n3A_533 {strides = array<i32>} : memref<50x128xi32, #tpu.memory_space<vmem>>, vector<16xi32>,
      %mul3A_537 = arith.constant 128 : i32
      %mul3A_538 = arith.muli %scan3A_33, %mul3A_537 : i32
      %add3A_539 = arith.addi %mul3A_11, %mul3A_538 : i32
      %add3A_540 = arith.constant 48 : i32
      %add3A_541 = arith.addi %add3A_539, %add3A_540 : i32
      %add3A_542 = vector.broadcast %add3A_541 : i32 to vector<16xi32>
      %add3A_543 = arith.addi %add3A_542, %iota3A : vector<16xi32>
      %broadcast_in_dim3A_544 = arith.constant 0 : i32
      %broadcast_in_dim3A_545 = vector.broadcast %broadcast_in_dim3A_544 : i32 to vector<16xi32>
      %add3A_546 = arith.constant 2048 : i32
      %add3A_547 = vector.broadcast %add3A_546 : i32 to vector<16xi32>
      %add3A_548 = arith.addi %broadcast_in_dim3A_545, %add3A_547 : vector<16xi32>
      %le3A_549 = arith.constant 4095 : i32
      %le3A_550 = vector.broadcast %le3A_549 : i32 to vector<16xi32>
      %le3A_551 = arith.cmpi sle, %add3A_548, %le3A_550 : vector<16xi32>
      %jit3A_552 = arith.constant 4095 : i32
      %broadcast_in_dim3A_553 = vector.broadcast %jit3A_552 : i32 to vector<16xi32>
      %select_n3A_554 = arith.select %le3A_551, %add3A_548, %broadcast_in_dim3A_553 : vector<16xi1>, vector<16xi32>
      %gather3A_555 = tpu.vector_load_idx %arg8[%select_n3A_554] : memref<4096xi32, #tpu.memory_space<vmem>>[vector<16xi32>], vector<16xi32>,
      %le3A_556 = arith.cmpi sle, %gather3A_555, %add3A_543 : vector<16xi32>
      %and3A_557 = arith.andi %le3A_551, %le3A_556 : vector<16xi1>
      %select_n3A_558 = arith.select %and3A_557, %add3A_548, %broadcast_in_dim3A_545 : vector<16xi1>, vector<16xi32>
      %add3A_559 = arith.constant 1024 : i32
      %add3A_560 = vector.broadcast %add3A_559 : i32 to vector<16xi32>
      %add3A_561 = arith.addi %select_n3A_558, %add3A_560 : vector<16xi32>
      %le3A_562 = arith.constant 4095 : i32
      %le3A_563 = vector.broadcast %le3A_562 : i32 to vector<16xi32>
      %le3A_564 = arith.cmpi sle, %add3A_561, %le3A_563 : vector<16xi32>
      %jit3A_565 = arith.constant 4095 : i32
      %broadcast_in_dim3A_566 = vector.broadcast %jit3A_565 : i32 to vector<16xi32>
      %select_n3A_567 = arith.select %le3A_564, %add3A_561, %broadcast_in_dim3A_566 : vector<16xi1>, vector<16xi32>
      %gather3A_568 = tpu.vector_load_idx %arg8[%select_n3A_567] : memref<4096xi32, #tpu.memory_space<vmem>>[vector<16xi32>], vector<16xi32>,
      %le3A_569 = arith.cmpi sle, %gather3A_568, %add3A_543 : vector<16xi32>
      %and3A_570 = arith.andi %le3A_564, %le3A_569 : vector<16xi1>
      %select_n3A_571 = arith.select %and3A_570, %add3A_561, %select_n3A_558 : vector<16xi1>, vector<16xi32>
      %add3A_572 = arith.constant 512 : i32
      %add3A_573 = vector.broadcast %add3A_572 : i32 to vector<16xi32>
      %add3A_574 = arith.addi %select_n3A_571, %add3A_573 : vector<16xi32>
      %le3A_575 = arith.constant 4095 : i32
      %le3A_576 = vector.broadcast %le3A_575 : i32 to vector<16xi32>
      %le3A_577 = arith.cmpi sle, %add3A_574, %le3A_576 : vector<16xi32>
      %jit3A_578 = arith.constant 4095 : i32
      %broadcast_in_dim3A_579 = vector.broadcast %jit3A_578 : i32 to vector<16xi32>
      %select_n3A_580 = arith.select %le3A_577, %add3A_574, %broadcast_in_dim3A_579 : vector<16xi1>, vector<16xi32>
      %gather3A_581 = tpu.vector_load_idx %arg8[%select_n3A_580] : memref<4096xi32, #tpu.memory_space<vmem>>[vector<16xi32>], vector<16xi32>,
      %le3A_582 = arith.cmpi sle, %gather3A_581, %add3A_543 : vector<16xi32>
      %and3A_583 = arith.andi %le3A_577, %le3A_582 : vector<16xi1>
      %select_n3A_584 = arith.select %and3A_583, %add3A_574, %select_n3A_571 : vector<16xi1>, vector<16xi32>
      %add3A_585 = arith.constant 256 : i32
      %add3A_586 = vector.broadcast %add3A_585 : i32 to vector<16xi32>
      %add3A_587 = arith.addi %select_n3A_584, %add3A_586 : vector<16xi32>
      %le3A_588 = arith.constant 4095 : i32
      %le3A_589 = vector.broadcast %le3A_588 : i32 to vector<16xi32>
      %le3A_590 = arith.cmpi sle, %add3A_587, %le3A_589 : vector<16xi32>
      %jit3A_591 = arith.constant 4095 : i32
      %broadcast_in_dim3A_592 = vector.broadcast %jit3A_591 : i32 to vector<16xi32>
      %select_n3A_593 = arith.select %le3A_590, %add3A_587, %broadcast_in_dim3A_592 : vector<16xi1>, vector<16xi32>
      %gather3A_594 = tpu.vector_load_idx %arg8[%select_n3A_593] : memref<4096xi32, #tpu.memory_space<vmem>>[vector<16xi32>], vector<16xi32>,
      %le3A_595 = arith.cmpi sle, %gather3A_594, %add3A_543 : vector<16xi32>
      %and3A_596 = arith.andi %le3A_590, %le3A_595 : vector<16xi1>
      %select_n3A_597 = arith.select %and3A_596, %add3A_587, %select_n3A_584 : vector<16xi1>, vector<16xi32>
      %add3A_598 = arith.constant 128 : i32
      %add3A_599 = vector.broadcast %add3A_598 : i32 to vector<16xi32>
      %add3A_600 = arith.addi %select_n3A_597, %add3A_599 : vector<16xi32>
      %le3A_601 = arith.constant 4095 : i32
      %le3A_602 = vector.broadcast %le3A_601 : i32 to vector<16xi32>
      %le3A_603 = arith.cmpi sle, %add3A_600, %le3A_602 : vector<16xi32>
      %jit3A_604 = arith.constant 4095 : i32
      %broadcast_in_dim3A_605 = vector.broadcast %jit3A_604 : i32 to vector<16xi32>
      %select_n3A_606 = arith.select %le3A_603, %add3A_600, %broadcast_in_dim3A_605 : vector<16xi1>, vector<16xi32>
      %gather3A_607 = tpu.vector_load_idx %arg8[%select_n3A_606] : memref<4096xi32, #tpu.memory_space<vmem>>[vector<16xi32>], vector<16xi32>,
      %le3A_608 = arith.cmpi sle, %gather3A_607, %add3A_543 : vector<16xi32>
      %and3A_609 = arith.andi %le3A_603, %le3A_608 : vector<16xi1>
      %select_n3A_610 = arith.select %and3A_609, %add3A_600, %select_n3A_597 : vector<16xi1>, vector<16xi32>
      %add3A_611 = arith.constant 64 : i32
      %add3A_612 = vector.broadcast %add3A_611 : i32 to vector<16xi32>
      %add3A_613 = arith.addi %select_n3A_610, %add3A_612 : vector<16xi32>
      %le3A_614 = arith.constant 4095 : i32
      %le3A_615 = vector.broadcast %le3A_614 : i32 to vector<16xi32>
      %le3A_616 = arith.cmpi sle, %add3A_613, %le3A_615 : vector<16xi32>
      %jit3A_617 = arith.constant 4095 : i32
      %broadcast_in_dim3A_618 = vector.broadcast %jit3A_617 : i32 to vector<16xi32>
      %select_n3A_619 = arith.select %le3A_616, %add3A_613, %broadcast_in_dim3A_618 : vector<16xi1>, vector<16xi32>
      %gather3A_620 = tpu.vector_load_idx %arg8[%select_n3A_619] : memref<4096xi32, #tpu.memory_space<vmem>>[vector<16xi32>], vector<16xi32>,
      %le3A_621 = arith.cmpi sle, %gather3A_620, %add3A_543 : vector<16xi32>
      %and3A_622 = arith.andi %le3A_616, %le3A_621 : vector<16xi1>
      %select_n3A_623 = arith.select %and3A_622, %add3A_613, %select_n3A_610 : vector<16xi1>, vector<16xi32>
      %add3A_624 = arith.constant 32 : i32
      %add3A_625 = vector.broadcast %add3A_624 : i32 to vector<16xi32>
      %add3A_626 = arith.addi %select_n3A_623, %add3A_625 : vector<16xi32>
      %le3A_627 = arith.constant 4095 : i32
      %le3A_628 = vector.broadcast %le3A_627 : i32 to vector<16xi32>
      %le3A_629 = arith.cmpi sle, %add3A_626, %le3A_628 : vector<16xi32>
      %jit3A_630 = arith.constant 4095 : i32
      %broadcast_in_dim3A_631 = vector.broadcast %jit3A_630 : i32 to vector<16xi32>
      %select_n3A_632 = arith.select %le3A_629, %add3A_626, %broadcast_in_dim3A_631 : vector<16xi1>, vector<16xi32>
      %gather3A_633 = tpu.vector_load_idx %arg8[%select_n3A_632] : memref<4096xi32, #tpu.memory_space<vmem>>[vector<16xi32>], vector<16xi32>,
      %le3A_634 = arith.cmpi sle, %gather3A_633, %add3A_543 : vector<16xi32>
      %and3A_635 = arith.andi %le3A_629, %le3A_634 : vector<16xi1>
      %select_n3A_636 = arith.select %and3A_635, %add3A_626, %select_n3A_623 : vector<16xi1>, vector<16xi32>
      %add3A_637 = arith.constant 16 : i32
      %add3A_638 = vector.broadcast %add3A_637 : i32 to vector<16xi32>
      %add3A_639 = arith.addi %select_n3A_636, %add3A_638 : vector<16xi32>
      %le3A_640 = arith.constant 4095 : i32
      %le3A_641 = vector.broadcast %le3A_640 : i32 to vector<16xi32>
      %le3A_642 = arith.cmpi sle, %add3A_639, %le3A_641 : vector<16xi32>
      %jit3A_643 = arith.constant 4095 : i32
      %broadcast_in_dim3A_644 = vector.broadcast %jit3A_643 : i32 to vector<16xi32>
      %select_n3A_645 = arith.select %le3A_642, %add3A_639, %broadcast_in_dim3A_644 : vector<16xi1>, vector<16xi32>
      %gather3A_646 = tpu.vector_load_idx %arg8[%select_n3A_645] : memref<4096xi32, #tpu.memory_space<vmem>>[vector<16xi32>], vector<16xi32>,
      %le3A_647 = arith.cmpi sle, %gather3A_646, %add3A_543 : vector<16xi32>
      %and3A_648 = arith.andi %le3A_642, %le3A_647 : vector<16xi1>
      %select_n3A_649 = arith.select %and3A_648, %add3A_639, %select_n3A_636 : vector<16xi1>, vector<16xi32>
      %add3A_650 = arith.constant 8 : i32
      %add3A_651 = vector.broadcast %add3A_650 : i32 to vector<16xi32>
      %add3A_652 = arith.addi %select_n3A_649, %add3A_651 : vector<16xi32>
      %le3A_653 = arith.constant 4095 : i32
      %le3A_654 = vector.broadcast %le3A_653 : i32 to vector<16xi32>
      %le3A_655 = arith.cmpi sle, %add3A_652, %le3A_654 : vector<16xi32>
      %jit3A_656 = arith.constant 4095 : i32
      %broadcast_in_dim3A_657 = vector.broadcast %jit3A_656 : i32 to vector<16xi32>
      %select_n3A_658 = arith.select %le3A_655, %add3A_652, %broadcast_in_dim3A_657 : vector<16xi1>, vector<16xi32>
      %gather3A_659 = tpu.vector_load_idx %arg8[%select_n3A_658] : memref<4096xi32, #tpu.memory_space<vmem>>[vector<16xi32>], vector<16xi32>,
      %le3A_660 = arith.cmpi sle, %gather3A_659, %add3A_543 : vector<16xi32>
      %and3A_661 = arith.andi %le3A_655, %le3A_660 : vector<16xi1>
      %select_n3A_662 = arith.select %and3A_661, %add3A_652, %select_n3A_649 : vector<16xi1>, vector<16xi32>
      %add3A_663 = arith.constant 4 : i32
      %add3A_664 = vector.broadcast %add3A_663 : i32 to vector<16xi32>
      %add3A_665 = arith.addi %select_n3A_662, %add3A_664 : vector<16xi32>
      %le3A_666 = arith.constant 4095 : i32
      %le3A_667 = vector.broadcast %le3A_666 : i32 to vector<16xi32>
      %le3A_668 = arith.cmpi sle, %add3A_665, %le3A_667 : vector<16xi32>
      %jit3A_669 = arith.constant 4095 : i32
      %broadcast_in_dim3A_670 = vector.broadcast %jit3A_669 : i32 to vector<16xi32>
      %select_n3A_671 = arith.select %le3A_668, %add3A_665, %broadcast_in_dim3A_670 : vector<16xi1>, vector<16xi32>
      %gather3A_672 = tpu.vector_load_idx %arg8[%select_n3A_671] : memref<4096xi32, #tpu.memory_space<vmem>>[vector<16xi32>], vector<16xi32>,
      %le3A_673 = arith.cmpi sle, %gather3A_672, %add3A_543 : vector<16xi32>
      %and3A_674 = arith.andi %le3A_668, %le3A_673 : vector<16xi1>
      %select_n3A_675 = arith.select %and3A_674, %add3A_665, %select_n3A_662 : vector<16xi1>, vector<16xi32>
      %add3A_676 = arith.constant 2 : i32
      %add3A_677 = vector.broadcast %add3A_676 : i32 to vector<16xi32>
      %add3A_678 = arith.addi %select_n3A_675, %add3A_677 : vector<16xi32>
      %le3A_679 = arith.constant 4095 : i32
      %le3A_680 = vector.broadcast %le3A_679 : i32 to vector<16xi32>
      %le3A_681 = arith.cmpi sle, %add3A_678, %le3A_680 : vector<16xi32>
      %jit3A_682 = arith.constant 4095 : i32
      %broadcast_in_dim3A_683 = vector.broadcast %jit3A_682 : i32 to vector<16xi32>
      %select_n3A_684 = arith.select %le3A_681, %add3A_678, %broadcast_in_dim3A_683 : vector<16xi1>, vector<16xi32>
      %gather3A_685 = tpu.vector_load_idx %arg8[%select_n3A_684] : memref<4096xi32, #tpu.memory_space<vmem>>[vector<16xi32>], vector<16xi32>,
      %le3A_686 = arith.cmpi sle, %gather3A_685, %add3A_543 : vector<16xi32>
      %and3A_687 = arith.andi %le3A_681, %le3A_686 : vector<16xi1>
      %select_n3A_688 = arith.select %and3A_687, %add3A_678, %select_n3A_675 : vector<16xi1>, vector<16xi32>
      %add3A_689 = arith.constant 1 : i32
      %add3A_690 = vector.broadcast %add3A_689 : i32 to vector<16xi32>
      %add3A_691 = arith.addi %select_n3A_688, %add3A_690 : vector<16xi32>
      %le3A_692 = arith.constant 4095 : i32
      %le3A_693 = vector.broadcast %le3A_692 : i32 to vector<16xi32>
      %le3A_694 = arith.cmpi sle, %add3A_691, %le3A_693 : vector<16xi32>
      %jit3A_695 = arith.constant 4095 : i32
      %broadcast_in_dim3A_696 = vector.broadcast %jit3A_695 : i32 to vector<16xi32>
      %select_n3A_697 = arith.select %le3A_694, %add3A_691, %broadcast_in_dim3A_696 : vector<16xi1>, vector<16xi32>
      %gather3A_698 = tpu.vector_load_idx %arg8[%select_n3A_697] : memref<4096xi32, #tpu.memory_space<vmem>>[vector<16xi32>], vector<16xi32>,
      %le3A_699 = arith.cmpi sle, %gather3A_698, %add3A_543 : vector<16xi32>
      %and3A_700 = arith.andi %le3A_694, %le3A_699 : vector<16xi1>
      %select_n3A_701 = arith.select %and3A_700, %add3A_691, %select_n3A_688 : vector<16xi1>, vector<16xi32>
      %swap3A_702 = arith.index_cast %scan3A_33 : i32 to index
      %swap3A_703 = arith.constant 48 : index
      %swap3A_704 = tpu.vector_load %arg7[%swap3A_702, %swap3A_703] {strides = array<i32>} : memref<50x128xi32, #tpu.memory_space<vmem>>, vector<16xi32>,
      tpu.vector_store %arg7[%swap3A_702, %swap3A_703], %select_n3A_701 {strides = array<i32>} : memref<50x128xi32, #tpu.memory_space<vmem>>, vector<16xi32>,
      %mul3A_705 = arith.constant 128 : i32
      %mul3A_706 = arith.muli %scan3A_33, %mul3A_705 : i32
      %add3A_707 = arith.addi %mul3A_11, %mul3A_706 : i32
      %add3A_708 = arith.constant 64 : i32
      %add3A_709 = arith.addi %add3A_707, %add3A_708 : i32
      %add3A_710 = vector.broadcast %add3A_709 : i32 to vector<16xi32>
      %add3A_711 = arith.addi %add3A_710, %iota3A : vector<16xi32>
      %broadcast_in_dim3A_712 = arith.constant 0 : i32
      %broadcast_in_dim3A_713 = vector.broadcast %broadcast_in_dim3A_712 : i32 to vector<16xi32>
      %add3A_714 = arith.constant 2048 : i32
      %add3A_715 = vector.broadcast %add3A_714 : i32 to vector<16xi32>
      %add3A_716 = arith.addi %broadcast_in_dim3A_713, %add3A_715 : vector<16xi32>
      %le3A_717 = arith.constant 4095 : i32
      %le3A_718 = vector.broadcast %le3A_717 : i32 to vector<16xi32>
      %le3A_719 = arith.cmpi sle, %add3A_716, %le3A_718 : vector<16xi32>
      %jit3A_720 = arith.constant 4095 : i32
      %broadcast_in_dim3A_721 = vector.broadcast %jit3A_720 : i32 to vector<16xi32>
      %select_n3A_722 = arith.select %le3A_719, %add3A_716, %broadcast_in_dim3A_721 : vector<16xi1>, vector<16xi32>
      %gather3A_723 = tpu.vector_load_idx %arg8[%select_n3A_722] : memref<4096xi32, #tpu.memory_space<vmem>>[vector<16xi32>], vector<16xi32>,
      %le3A_724 = arith.cmpi sle, %gather3A_723, %add3A_711 : vector<16xi32>
      %and3A_725 = arith.andi %le3A_719, %le3A_724 : vector<16xi1>
      %select_n3A_726 = arith.select %and3A_725, %add3A_716, %broadcast_in_dim3A_713 : vector<16xi1>, vector<16xi32>
      %add3A_727 = arith.constant 1024 : i32
      %add3A_728 = vector.broadcast %add3A_727 : i32 to vector<16xi32>
      %add3A_729 = arith.addi %select_n3A_726, %add3A_728 : vector<16xi32>
      %le3A_730 = arith.constant 4095 : i32
      %le3A_731 = vector.broadcast %le3A_730 : i32 to vector<16xi32>
      %le3A_732 = arith.cmpi sle, %add3A_729, %le3A_731 : vector<16xi32>
      %jit3A_733 = arith.constant 4095 : i32
      %broadcast_in_dim3A_734 = vector.broadcast %jit3A_733 : i32 to vector<16xi32>
      %select_n3A_735 = arith.select %le3A_732, %add3A_729, %broadcast_in_dim3A_734 : vector<16xi1>, vector<16xi32>
      %gather3A_736 = tpu.vector_load_idx %arg8[%select_n3A_735] : memref<4096xi32, #tpu.memory_space<vmem>>[vector<16xi32>], vector<16xi32>,
      %le3A_737 = arith.cmpi sle, %gather3A_736, %add3A_711 : vector<16xi32>
      %and3A_738 = arith.andi %le3A_732, %le3A_737 : vector<16xi1>
      %select_n3A_739 = arith.select %and3A_738, %add3A_729, %select_n3A_726 : vector<16xi1>, vector<16xi32>
      %add3A_740 = arith.constant 512 : i32
      %add3A_741 = vector.broadcast %add3A_740 : i32 to vector<16xi32>
      %add3A_742 = arith.addi %select_n3A_739, %add3A_741 : vector<16xi32>
      %le3A_743 = arith.constant 4095 : i32
      %le3A_744 = vector.broadcast %le3A_743 : i32 to vector<16xi32>
      %le3A_745 = arith.cmpi sle, %add3A_742, %le3A_744 : vector<16xi32>
      %jit3A_746 = arith.constant 4095 : i32
      %broadcast_in_dim3A_747 = vector.broadcast %jit3A_746 : i32 to vector<16xi32>
      %select_n3A_748 = arith.select %le3A_745, %add3A_742, %broadcast_in_dim3A_747 : vector<16xi1>, vector<16xi32>
      %gather3A_749 = tpu.vector_load_idx %arg8[%select_n3A_748] : memref<4096xi32, #tpu.memory_space<vmem>>[vector<16xi32>], vector<16xi32>,
      %le3A_750 = arith.cmpi sle, %gather3A_749, %add3A_711 : vector<16xi32>
      %and3A_751 = arith.andi %le3A_745, %le3A_750 : vector<16xi1>
      %select_n3A_752 = arith.select %and3A_751, %add3A_742, %select_n3A_739 : vector<16xi1>, vector<16xi32>
      %add3A_753 = arith.constant 256 : i32
      %add3A_754 = vector.broadcast %add3A_753 : i32 to vector<16xi32>
      %add3A_755 = arith.addi %select_n3A_752, %add3A_754 : vector<16xi32>
      %le3A_756 = arith.constant 4095 : i32
      %le3A_757 = vector.broadcast %le3A_756 : i32 to vector<16xi32>
      %le3A_758 = arith.cmpi sle, %add3A_755, %le3A_757 : vector<16xi32>
      %jit3A_759 = arith.constant 4095 : i32
      %broadcast_in_dim3A_760 = vector.broadcast %jit3A_759 : i32 to vector<16xi32>
      %select_n3A_761 = arith.select %le3A_758, %add3A_755, %broadcast_in_dim3A_760 : vector<16xi1>, vector<16xi32>
      %gather3A_762 = tpu.vector_load_idx %arg8[%select_n3A_761] : memref<4096xi32, #tpu.memory_space<vmem>>[vector<16xi32>], vector<16xi32>,
      %le3A_763 = arith.cmpi sle, %gather3A_762, %add3A_711 : vector<16xi32>
      %and3A_764 = arith.andi %le3A_758, %le3A_763 : vector<16xi1>
      %select_n3A_765 = arith.select %and3A_764, %add3A_755, %select_n3A_752 : vector<16xi1>, vector<16xi32>
      %add3A_766 = arith.constant 128 : i32
      %add3A_767 = vector.broadcast %add3A_766 : i32 to vector<16xi32>
      %add3A_768 = arith.addi %select_n3A_765, %add3A_767 : vector<16xi32>
      %le3A_769 = arith.constant 4095 : i32
      %le3A_770 = vector.broadcast %le3A_769 : i32 to vector<16xi32>
      %le3A_771 = arith.cmpi sle, %add3A_768, %le3A_770 : vector<16xi32>
      %jit3A_772 = arith.constant 4095 : i32
      %broadcast_in_dim3A_773 = vector.broadcast %jit3A_772 : i32 to vector<16xi32>
      %select_n3A_774 = arith.select %le3A_771, %add3A_768, %broadcast_in_dim3A_773 : vector<16xi1>, vector<16xi32>
      %gather3A_775 = tpu.vector_load_idx %arg8[%select_n3A_774] : memref<4096xi32, #tpu.memory_space<vmem>>[vector<16xi32>], vector<16xi32>,
      %le3A_776 = arith.cmpi sle, %gather3A_775, %add3A_711 : vector<16xi32>
      %and3A_777 = arith.andi %le3A_771, %le3A_776 : vector<16xi1>
      %select_n3A_778 = arith.select %and3A_777, %add3A_768, %select_n3A_765 : vector<16xi1>, vector<16xi32>
      %add3A_779 = arith.constant 64 : i32
      %add3A_780 = vector.broadcast %add3A_779 : i32 to vector<16xi32>
      %add3A_781 = arith.addi %select_n3A_778, %add3A_780 : vector<16xi32>
      %le3A_782 = arith.constant 4095 : i32
      %le3A_783 = vector.broadcast %le3A_782 : i32 to vector<16xi32>
      %le3A_784 = arith.cmpi sle, %add3A_781, %le3A_783 : vector<16xi32>
      %jit3A_785 = arith.constant 4095 : i32
      %broadcast_in_dim3A_786 = vector.broadcast %jit3A_785 : i32 to vector<16xi32>
      %select_n3A_787 = arith.select %le3A_784, %add3A_781, %broadcast_in_dim3A_786 : vector<16xi1>, vector<16xi32>
      %gather3A_788 = tpu.vector_load_idx %arg8[%select_n3A_787] : memref<4096xi32, #tpu.memory_space<vmem>>[vector<16xi32>], vector<16xi32>,
      %le3A_789 = arith.cmpi sle, %gather3A_788, %add3A_711 : vector<16xi32>
      %and3A_790 = arith.andi %le3A_784, %le3A_789 : vector<16xi1>
      %select_n3A_791 = arith.select %and3A_790, %add3A_781, %select_n3A_778 : vector<16xi1>, vector<16xi32>
      %add3A_792 = arith.constant 32 : i32
      %add3A_793 = vector.broadcast %add3A_792 : i32 to vector<16xi32>
      %add3A_794 = arith.addi %select_n3A_791, %add3A_793 : vector<16xi32>
      %le3A_795 = arith.constant 4095 : i32
      %le3A_796 = vector.broadcast %le3A_795 : i32 to vector<16xi32>
      %le3A_797 = arith.cmpi sle, %add3A_794, %le3A_796 : vector<16xi32>
      %jit3A_798 = arith.constant 4095 : i32
      %broadcast_in_dim3A_799 = vector.broadcast %jit3A_798 : i32 to vector<16xi32>
      %select_n3A_800 = arith.select %le3A_797, %add3A_794, %broadcast_in_dim3A_799 : vector<16xi1>, vector<16xi32>
      %gather3A_801 = tpu.vector_load_idx %arg8[%select_n3A_800] : memref<4096xi32, #tpu.memory_space<vmem>>[vector<16xi32>], vector<16xi32>,
      %le3A_802 = arith.cmpi sle, %gather3A_801, %add3A_711 : vector<16xi32>
      %and3A_803 = arith.andi %le3A_797, %le3A_802 : vector<16xi1>
      %select_n3A_804 = arith.select %and3A_803, %add3A_794, %select_n3A_791 : vector<16xi1>, vector<16xi32>
      %add3A_805 = arith.constant 16 : i32
      %add3A_806 = vector.broadcast %add3A_805 : i32 to vector<16xi32>
      %add3A_807 = arith.addi %select_n3A_804, %add3A_806 : vector<16xi32>
      %le3A_808 = arith.constant 4095 : i32
      %le3A_809 = vector.broadcast %le3A_808 : i32 to vector<16xi32>
      %le3A_810 = arith.cmpi sle, %add3A_807, %le3A_809 : vector<16xi32>
      %jit3A_811 = arith.constant 4095 : i32
      %broadcast_in_dim3A_812 = vector.broadcast %jit3A_811 : i32 to vector<16xi32>
      %select_n3A_813 = arith.select %le3A_810, %add3A_807, %broadcast_in_dim3A_812 : vector<16xi1>, vector<16xi32>
      %gather3A_814 = tpu.vector_load_idx %arg8[%select_n3A_813] : memref<4096xi32, #tpu.memory_space<vmem>>[vector<16xi32>], vector<16xi32>,
      %le3A_815 = arith.cmpi sle, %gather3A_814, %add3A_711 : vector<16xi32>
      %and3A_816 = arith.andi %le3A_810, %le3A_815 : vector<16xi1>
      %select_n3A_817 = arith.select %and3A_816, %add3A_807, %select_n3A_804 : vector<16xi1>, vector<16xi32>
      %add3A_818 = arith.constant 8 : i32
      %add3A_819 = vector.broadcast %add3A_818 : i32 to vector<16xi32>
      %add3A_820 = arith.addi %select_n3A_817, %add3A_819 : vector<16xi32>
      %le3A_821 = arith.constant 4095 : i32
      %le3A_822 = vector.broadcast %le3A_821 : i32 to vector<16xi32>
      %le3A_823 = arith.cmpi sle, %add3A_820, %le3A_822 : vector<16xi32>
      %jit3A_824 = arith.constant 4095 : i32
      %broadcast_in_dim3A_825 = vector.broadcast %jit3A_824 : i32 to vector<16xi32>
      %select_n3A_826 = arith.select %le3A_823, %add3A_820, %broadcast_in_dim3A_825 : vector<16xi1>, vector<16xi32>
      %gather3A_827 = tpu.vector_load_idx %arg8[%select_n3A_826] : memref<4096xi32, #tpu.memory_space<vmem>>[vector<16xi32>], vector<16xi32>,
      %le3A_828 = arith.cmpi sle, %gather3A_827, %add3A_711 : vector<16xi32>
      %and3A_829 = arith.andi %le3A_823, %le3A_828 : vector<16xi1>
      %select_n3A_830 = arith.select %and3A_829, %add3A_820, %select_n3A_817 : vector<16xi1>, vector<16xi32>
      %add3A_831 = arith.constant 4 : i32
      %add3A_832 = vector.broadcast %add3A_831 : i32 to vector<16xi32>
      %add3A_833 = arith.addi %select_n3A_830, %add3A_832 : vector<16xi32>
      %le3A_834 = arith.constant 4095 : i32
      %le3A_835 = vector.broadcast %le3A_834 : i32 to vector<16xi32>
      %le3A_836 = arith.cmpi sle, %add3A_833, %le3A_835 : vector<16xi32>
      %jit3A_837 = arith.constant 4095 : i32
      %broadcast_in_dim3A_838 = vector.broadcast %jit3A_837 : i32 to vector<16xi32>
      %select_n3A_839 = arith.select %le3A_836, %add3A_833, %broadcast_in_dim3A_838 : vector<16xi1>, vector<16xi32>
      %gather3A_840 = tpu.vector_load_idx %arg8[%select_n3A_839] : memref<4096xi32, #tpu.memory_space<vmem>>[vector<16xi32>], vector<16xi32>,
      %le3A_841 = arith.cmpi sle, %gather3A_840, %add3A_711 : vector<16xi32>
      %and3A_842 = arith.andi %le3A_836, %le3A_841 : vector<16xi1>
      %select_n3A_843 = arith.select %and3A_842, %add3A_833, %select_n3A_830 : vector<16xi1>, vector<16xi32>
      %add3A_844 = arith.constant 2 : i32
      %add3A_845 = vector.broadcast %add3A_844 : i32 to vector<16xi32>
      %add3A_846 = arith.addi %select_n3A_843, %add3A_845 : vector<16xi32>
      %le3A_847 = arith.constant 4095 : i32
      %le3A_848 = vector.broadcast %le3A_847 : i32 to vector<16xi32>
      %le3A_849 = arith.cmpi sle, %add3A_846, %le3A_848 : vector<16xi32>
      %jit3A_850 = arith.constant 4095 : i32
      %broadcast_in_dim3A_851 = vector.broadcast %jit3A_850 : i32 to vector<16xi32>
      %select_n3A_852 = arith.select %le3A_849, %add3A_846, %broadcast_in_dim3A_851 : vector<16xi1>, vector<16xi32>
      %gather3A_853 = tpu.vector_load_idx %arg8[%select_n3A_852] : memref<4096xi32, #tpu.memory_space<vmem>>[vector<16xi32>], vector<16xi32>,
      %le3A_854 = arith.cmpi sle, %gather3A_853, %add3A_711 : vector<16xi32>
      %and3A_855 = arith.andi %le3A_849, %le3A_854 : vector<16xi1>
      %select_n3A_856 = arith.select %and3A_855, %add3A_846, %select_n3A_843 : vector<16xi1>, vector<16xi32>
      %add3A_857 = arith.constant 1 : i32
      %add3A_858 = vector.broadcast %add3A_857 : i32 to vector<16xi32>
      %add3A_859 = arith.addi %select_n3A_856, %add3A_858 : vector<16xi32>
      %le3A_860 = arith.constant 4095 : i32
      %le3A_861 = vector.broadcast %le3A_860 : i32 to vector<16xi32>
      %le3A_862 = arith.cmpi sle, %add3A_859, %le3A_861 : vector<16xi32>
      %jit3A_863 = arith.constant 4095 : i32
      %broadcast_in_dim3A_864 = vector.broadcast %jit3A_863 : i32 to vector<16xi32>
      %select_n3A_865 = arith.select %le3A_862, %add3A_859, %broadcast_in_dim3A_864 : vector<16xi1>, vector<16xi32>
      %gather3A_866 = tpu.vector_load_idx %arg8[%select_n3A_865] : memref<4096xi32, #tpu.memory_space<vmem>>[vector<16xi32>], vector<16xi32>,
      %le3A_867 = arith.cmpi sle, %gather3A_866, %add3A_711 : vector<16xi32>
      %and3A_868 = arith.andi %le3A_862, %le3A_867 : vector<16xi1>
      %select_n3A_869 = arith.select %and3A_868, %add3A_859, %select_n3A_856 : vector<16xi1>, vector<16xi32>
      %swap3A_870 = arith.index_cast %scan3A_33 : i32 to index
      %swap3A_871 = arith.constant 64 : index
      %swap3A_872 = tpu.vector_load %arg7[%swap3A_870, %swap3A_871] {strides = array<i32>} : memref<50x128xi32, #tpu.memory_space<vmem>>, vector<16xi32>,
      tpu.vector_store %arg7[%swap3A_870, %swap3A_871], %select_n3A_869 {strides = array<i32>} : memref<50x128xi32, #tpu.memory_space<vmem>>, vector<16xi32>,
      %mul3A_873 = arith.constant 128 : i32
      %mul3A_874 = arith.muli %scan3A_33, %mul3A_873 : i32
      %add3A_875 = arith.addi %mul3A_11, %mul3A_874 : i32
      %add3A_876 = arith.constant 80 : i32
      %add3A_877 = arith.addi %add3A_875, %add3A_876 : i32
      %add3A_878 = vector.broadcast %add3A_877 : i32 to vector<16xi32>
      %add3A_879 = arith.addi %add3A_878, %iota3A : vector<16xi32>
      %broadcast_in_dim3A_880 = arith.constant 0 : i32
      %broadcast_in_dim3A_881 = vector.broadcast %broadcast_in_dim3A_880 : i32 to vector<16xi32>
      %add3A_882 = arith.constant 2048 : i32
      %add3A_883 = vector.broadcast %add3A_882 : i32 to vector<16xi32>
      %add3A_884 = arith.addi %broadcast_in_dim3A_881, %add3A_883 : vector<16xi32>
      %le3A_885 = arith.constant 4095 : i32
      %le3A_886 = vector.broadcast %le3A_885 : i32 to vector<16xi32>
      %le3A_887 = arith.cmpi sle, %add3A_884, %le3A_886 : vector<16xi32>
      %jit3A_888 = arith.constant 4095 : i32
      %broadcast_in_dim3A_889 = vector.broadcast %jit3A_888 : i32 to vector<16xi32>
      %select_n3A_890 = arith.select %le3A_887, %add3A_884, %broadcast_in_dim3A_889 : vector<16xi1>, vector<16xi32>
      %gather3A_891 = tpu.vector_load_idx %arg8[%select_n3A_890] : memref<4096xi32, #tpu.memory_space<vmem>>[vector<16xi32>], vector<16xi32>,
      %le3A_892 = arith.cmpi sle, %gather3A_891, %add3A_879 : vector<16xi32>
      %and3A_893 = arith.andi %le3A_887, %le3A_892 : vector<16xi1>
      %select_n3A_894 = arith.select %and3A_893, %add3A_884, %broadcast_in_dim3A_881 : vector<16xi1>, vector<16xi32>
      %add3A_895 = arith.constant 1024 : i32
      %add3A_896 = vector.broadcast %add3A_895 : i32 to vector<16xi32>
      %add3A_897 = arith.addi %select_n3A_894, %add3A_896 : vector<16xi32>
      %le3A_898 = arith.constant 4095 : i32
      %le3A_899 = vector.broadcast %le3A_898 : i32 to vector<16xi32>
      %le3A_900 = arith.cmpi sle, %add3A_897, %le3A_899 : vector<16xi32>
      %jit3A_901 = arith.constant 4095 : i32
      %broadcast_in_dim3A_902 = vector.broadcast %jit3A_901 : i32 to vector<16xi32>
      %select_n3A_903 = arith.select %le3A_900, %add3A_897, %broadcast_in_dim3A_902 : vector<16xi1>, vector<16xi32>
      %gather3A_904 = tpu.vector_load_idx %arg8[%select_n3A_903] : memref<4096xi32, #tpu.memory_space<vmem>>[vector<16xi32>], vector<16xi32>,
      %le3A_905 = arith.cmpi sle, %gather3A_904, %add3A_879 : vector<16xi32>
      %and3A_906 = arith.andi %le3A_900, %le3A_905 : vector<16xi1>
      %select_n3A_907 = arith.select %and3A_906, %add3A_897, %select_n3A_894 : vector<16xi1>, vector<16xi32>
      %add3A_908 = arith.constant 512 : i32
      %add3A_909 = vector.broadcast %add3A_908 : i32 to vector<16xi32>
      %add3A_910 = arith.addi %select_n3A_907, %add3A_909 : vector<16xi32>
      %le3A_911 = arith.constant 4095 : i32
      %le3A_912 = vector.broadcast %le3A_911 : i32 to vector<16xi32>
      %le3A_913 = arith.cmpi sle, %add3A_910, %le3A_912 : vector<16xi32>
      %jit3A_914 = arith.constant 4095 : i32
      %broadcast_in_dim3A_915 = vector.broadcast %jit3A_914 : i32 to vector<16xi32>
      %select_n3A_916 = arith.select %le3A_913, %add3A_910, %broadcast_in_dim3A_915 : vector<16xi1>, vector<16xi32>
      %gather3A_917 = tpu.vector_load_idx %arg8[%select_n3A_916] : memref<4096xi32, #tpu.memory_space<vmem>>[vector<16xi32>], vector<16xi32>,
      %le3A_918 = arith.cmpi sle, %gather3A_917, %add3A_879 : vector<16xi32>
      %and3A_919 = arith.andi %le3A_913, %le3A_918 : vector<16xi1>
      %select_n3A_920 = arith.select %and3A_919, %add3A_910, %select_n3A_907 : vector<16xi1>, vector<16xi32>
      %add3A_921 = arith.constant 256 : i32
      %add3A_922 = vector.broadcast %add3A_921 : i32 to vector<16xi32>
      %add3A_923 = arith.addi %select_n3A_920, %add3A_922 : vector<16xi32>
      %le3A_924 = arith.constant 4095 : i32
      %le3A_925 = vector.broadcast %le3A_924 : i32 to vector<16xi32>
      %le3A_926 = arith.cmpi sle, %add3A_923, %le3A_925 : vector<16xi32>
      %jit3A_927 = arith.constant 4095 : i32
      %broadcast_in_dim3A_928 = vector.broadcast %jit3A_927 : i32 to vector<16xi32>
      %select_n3A_929 = arith.select %le3A_926, %add3A_923, %broadcast_in_dim3A_928 : vector<16xi1>, vector<16xi32>
      %gather3A_930 = tpu.vector_load_idx %arg8[%select_n3A_929] : memref<4096xi32, #tpu.memory_space<vmem>>[vector<16xi32>], vector<16xi32>,
      %le3A_931 = arith.cmpi sle, %gather3A_930, %add3A_879 : vector<16xi32>
      %and3A_932 = arith.andi %le3A_926, %le3A_931 : vector<16xi1>
      %select_n3A_933 = arith.select %and3A_932, %add3A_923, %select_n3A_920 : vector<16xi1>, vector<16xi32>
      %add3A_934 = arith.constant 128 : i32
      %add3A_935 = vector.broadcast %add3A_934 : i32 to vector<16xi32>
      %add3A_936 = arith.addi %select_n3A_933, %add3A_935 : vector<16xi32>
      %le3A_937 = arith.constant 4095 : i32
      %le3A_938 = vector.broadcast %le3A_937 : i32 to vector<16xi32>
      %le3A_939 = arith.cmpi sle, %add3A_936, %le3A_938 : vector<16xi32>
      %jit3A_940 = arith.constant 4095 : i32
      %broadcast_in_dim3A_941 = vector.broadcast %jit3A_940 : i32 to vector<16xi32>
      %select_n3A_942 = arith.select %le3A_939, %add3A_936, %broadcast_in_dim3A_941 : vector<16xi1>, vector<16xi32>
      %gather3A_943 = tpu.vector_load_idx %arg8[%select_n3A_942] : memref<4096xi32, #tpu.memory_space<vmem>>[vector<16xi32>], vector<16xi32>,
      %le3A_944 = arith.cmpi sle, %gather3A_943, %add3A_879 : vector<16xi32>
      %and3A_945 = arith.andi %le3A_939, %le3A_944 : vector<16xi1>
      %select_n3A_946 = arith.select %and3A_945, %add3A_936, %select_n3A_933 : vector<16xi1>, vector<16xi32>
      %add3A_947 = arith.constant 64 : i32
      %add3A_948 = vector.broadcast %add3A_947 : i32 to vector<16xi32>
      %add3A_949 = arith.addi %select_n3A_946, %add3A_948 : vector<16xi32>
      %le3A_950 = arith.constant 4095 : i32
      %le3A_951 = vector.broadcast %le3A_950 : i32 to vector<16xi32>
      %le3A_952 = arith.cmpi sle, %add3A_949, %le3A_951 : vector<16xi32>
      %jit3A_953 = arith.constant 4095 : i32
      %broadcast_in_dim3A_954 = vector.broadcast %jit3A_953 : i32 to vector<16xi32>
      %select_n3A_955 = arith.select %le3A_952, %add3A_949, %broadcast_in_dim3A_954 : vector<16xi1>, vector<16xi32>
      %gather3A_956 = tpu.vector_load_idx %arg8[%select_n3A_955] : memref<4096xi32, #tpu.memory_space<vmem>>[vector<16xi32>], vector<16xi32>,
      %le3A_957 = arith.cmpi sle, %gather3A_956, %add3A_879 : vector<16xi32>
      %and3A_958 = arith.andi %le3A_952, %le3A_957 : vector<16xi1>
      %select_n3A_959 = arith.select %and3A_958, %add3A_949, %select_n3A_946 : vector<16xi1>, vector<16xi32>
      %add3A_960 = arith.constant 32 : i32
      %add3A_961 = vector.broadcast %add3A_960 : i32 to vector<16xi32>
      %add3A_962 = arith.addi %select_n3A_959, %add3A_961 : vector<16xi32>
      %le3A_963 = arith.constant 4095 : i32
      %le3A_964 = vector.broadcast %le3A_963 : i32 to vector<16xi32>
      %le3A_965 = arith.cmpi sle, %add3A_962, %le3A_964 : vector<16xi32>
      %jit3A_966 = arith.constant 4095 : i32
      %broadcast_in_dim3A_967 = vector.broadcast %jit3A_966 : i32 to vector<16xi32>
      %select_n3A_968 = arith.select %le3A_965, %add3A_962, %broadcast_in_dim3A_967 : vector<16xi1>, vector<16xi32>
      %gather3A_969 = tpu.vector_load_idx %arg8[%select_n3A_968] : memref<4096xi32, #tpu.memory_space<vmem>>[vector<16xi32>], vector<16xi32>,
      %le3A_970 = arith.cmpi sle, %gather3A_969, %add3A_879 : vector<16xi32>
      %and3A_971 = arith.andi %le3A_965, %le3A_970 : vector<16xi1>
      %select_n3A_972 = arith.select %and3A_971, %add3A_962, %select_n3A_959 : vector<16xi1>, vector<16xi32>
      %add3A_973 = arith.constant 16 : i32
      %add3A_974 = vector.broadcast %add3A_973 : i32 to vector<16xi32>
      %add3A_975 = arith.addi %select_n3A_972, %add3A_974 : vector<16xi32>
      %le3A_976 = arith.constant 4095 : i32
      %le3A_977 = vector.broadcast %le3A_976 : i32 to vector<16xi32>
      %le3A_978 = arith.cmpi sle, %add3A_975, %le3A_977 : vector<16xi32>
      %jit3A_979 = arith.constant 4095 : i32
      %broadcast_in_dim3A_980 = vector.broadcast %jit3A_979 : i32 to vector<16xi32>
      %select_n3A_981 = arith.select %le3A_978, %add3A_975, %broadcast_in_dim3A_980 : vector<16xi1>, vector<16xi32>
      %gather3A_982 = tpu.vector_load_idx %arg8[%select_n3A_981] : memref<4096xi32, #tpu.memory_space<vmem>>[vector<16xi32>], vector<16xi32>,
      %le3A_983 = arith.cmpi sle, %gather3A_982, %add3A_879 : vector<16xi32>
      %and3A_984 = arith.andi %le3A_978, %le3A_983 : vector<16xi1>
      %select_n3A_985 = arith.select %and3A_984, %add3A_975, %select_n3A_972 : vector<16xi1>, vector<16xi32>
      %add3A_986 = arith.constant 8 : i32
      %add3A_987 = vector.broadcast %add3A_986 : i32 to vector<16xi32>
      %add3A_988 = arith.addi %select_n3A_985, %add3A_987 : vector<16xi32>
      %le3A_989 = arith.constant 4095 : i32
      %le3A_990 = vector.broadcast %le3A_989 : i32 to vector<16xi32>
      %le3A_991 = arith.cmpi sle, %add3A_988, %le3A_990 : vector<16xi32>
      %jit3A_992 = arith.constant 4095 : i32
      %broadcast_in_dim3A_993 = vector.broadcast %jit3A_992 : i32 to vector<16xi32>
      %select_n3A_994 = arith.select %le3A_991, %add3A_988, %broadcast_in_dim3A_993 : vector<16xi1>, vector<16xi32>
      %gather3A_995 = tpu.vector_load_idx %arg8[%select_n3A_994] : memref<4096xi32, #tpu.memory_space<vmem>>[vector<16xi32>], vector<16xi32>,
      %le3A_996 = arith.cmpi sle, %gather3A_995, %add3A_879 : vector<16xi32>
      %and3A_997 = arith.andi %le3A_991, %le3A_996 : vector<16xi1>
      %select_n3A_998 = arith.select %and3A_997, %add3A_988, %select_n3A_985 : vector<16xi1>, vector<16xi32>
      %add3A_999 = arith.constant 4 : i32
      %add3A_1000 = vector.broadcast %add3A_999 : i32 to vector<16xi32>
      %add3A_1001 = arith.addi %select_n3A_998, %add3A_1000 : vector<16xi32>
      %le3A_1002 = arith.constant 4095 : i32
      %le3A_1003 = vector.broadcast %le3A_1002 : i32 to vector<16xi32>
      %le3A_1004 = arith.cmpi sle, %add3A_1001, %le3A_1003 : vector<16xi32>
      %jit3A_1005 = arith.constant 4095 : i32
      %broadcast_in_dim3A_1006 = vector.broadcast %jit3A_1005 : i32 to vector<16xi32>
      %select_n3A_1007 = arith.select %le3A_1004, %add3A_1001, %broadcast_in_dim3A_1006 : vector<16xi1>, vector<16xi32>
      %gather3A_1008 = tpu.vector_load_idx %arg8[%select_n3A_1007] : memref<4096xi32, #tpu.memory_space<vmem>>[vector<16xi32>], vector<16xi32>,
      %le3A_1009 = arith.cmpi sle, %gather3A_1008, %add3A_879 : vector<16xi32>
      %and3A_1010 = arith.andi %le3A_1004, %le3A_1009 : vector<16xi1>
      %select_n3A_1011 = arith.select %and3A_1010, %add3A_1001, %select_n3A_998 : vector<16xi1>, vector<16xi32>
      %add3A_1012 = arith.constant 2 : i32
      %add3A_1013 = vector.broadcast %add3A_1012 : i32 to vector<16xi32>
      %add3A_1014 = arith.addi %select_n3A_1011, %add3A_1013 : vector<16xi32>
      %le3A_1015 = arith.constant 4095 : i32
      %le3A_1016 = vector.broadcast %le3A_1015 : i32 to vector<16xi32>
      %le3A_1017 = arith.cmpi sle, %add3A_1014, %le3A_1016 : vector<16xi32>
      %jit3A_1018 = arith.constant 4095 : i32
      %broadcast_in_dim3A_1019 = vector.broadcast %jit3A_1018 : i32 to vector<16xi32>
      %select_n3A_1020 = arith.select %le3A_1017, %add3A_1014, %broadcast_in_dim3A_1019 : vector<16xi1>, vector<16xi32>
      %gather3A_1021 = tpu.vector_load_idx %arg8[%select_n3A_1020] : memref<4096xi32, #tpu.memory_space<vmem>>[vector<16xi32>], vector<16xi32>,
      %le3A_1022 = arith.cmpi sle, %gather3A_1021, %add3A_879 : vector<16xi32>
      %and3A_1023 = arith.andi %le3A_1017, %le3A_1022 : vector<16xi1>
      %select_n3A_1024 = arith.select %and3A_1023, %add3A_1014, %select_n3A_1011 : vector<16xi1>, vector<16xi32>
      %add3A_1025 = arith.constant 1 : i32
      %add3A_1026 = vector.broadcast %add3A_1025 : i32 to vector<16xi32>
      %add3A_1027 = arith.addi %select_n3A_1024, %add3A_1026 : vector<16xi32>
      %le3A_1028 = arith.constant 4095 : i32
      %le3A_1029 = vector.broadcast %le3A_1028 : i32 to vector<16xi32>
      %le3A_1030 = arith.cmpi sle, %add3A_1027, %le3A_1029 : vector<16xi32>
      %jit3A_1031 = arith.constant 4095 : i32
      %broadcast_in_dim3A_1032 = vector.broadcast %jit3A_1031 : i32 to vector<16xi32>
      %select_n3A_1033 = arith.select %le3A_1030, %add3A_1027, %broadcast_in_dim3A_1032 : vector<16xi1>, vector<16xi32>
      %gather3A_1034 = tpu.vector_load_idx %arg8[%select_n3A_1033] : memref<4096xi32, #tpu.memory_space<vmem>>[vector<16xi32>], vector<16xi32>,
      %le3A_1035 = arith.cmpi sle, %gather3A_1034, %add3A_879 : vector<16xi32>
      %and3A_1036 = arith.andi %le3A_1030, %le3A_1035 : vector<16xi1>
      %select_n3A_1037 = arith.select %and3A_1036, %add3A_1027, %select_n3A_1024 : vector<16xi1>, vector<16xi32>
      %swap3A_1038 = arith.index_cast %scan3A_33 : i32 to index
      %swap3A_1039 = arith.constant 80 : index
      %swap3A_1040 = tpu.vector_load %arg7[%swap3A_1038, %swap3A_1039] {strides = array<i32>} : memref<50x128xi32, #tpu.memory_space<vmem>>, vector<16xi32>,
      tpu.vector_store %arg7[%swap3A_1038, %swap3A_1039], %select_n3A_1037 {strides = array<i32>} : memref<50x128xi32, #tpu.memory_space<vmem>>, vector<16xi32>,
      %mul3A_1041 = arith.constant 128 : i32
      %mul3A_1042 = arith.muli %scan3A_33, %mul3A_1041 : i32
      %add3A_1043 = arith.addi %mul3A_11, %mul3A_1042 : i32
      %add3A_1044 = arith.constant 96 : i32
      %add3A_1045 = arith.addi %add3A_1043, %add3A_1044 : i32
      %add3A_1046 = vector.broadcast %add3A_1045 : i32 to vector<16xi32>
      %add3A_1047 = arith.addi %add3A_1046, %iota3A : vector<16xi32>
      %broadcast_in_dim3A_1048 = arith.constant 0 : i32
      %broadcast_in_dim3A_1049 = vector.broadcast %broadcast_in_dim3A_1048 : i32 to vector<16xi32>
      %add3A_1050 = arith.constant 2048 : i32
      %add3A_1051 = vector.broadcast %add3A_1050 : i32 to vector<16xi32>
      %add3A_1052 = arith.addi %broadcast_in_dim3A_1049, %add3A_1051 : vector<16xi32>
      %le3A_1053 = arith.constant 4095 : i32
      %le3A_1054 = vector.broadcast %le3A_1053 : i32 to vector<16xi32>
      %le3A_1055 = arith.cmpi sle, %add3A_1052, %le3A_1054 : vector<16xi32>
      %jit3A_1056 = arith.constant 4095 : i32
      %broadcast_in_dim3A_1057 = vector.broadcast %jit3A_1056 : i32 to vector<16xi32>
      %select_n3A_1058 = arith.select %le3A_1055, %add3A_1052, %broadcast_in_dim3A_1057 : vector<16xi1>, vector<16xi32>
      %gather3A_1059 = tpu.vector_load_idx %arg8[%select_n3A_1058] : memref<4096xi32, #tpu.memory_space<vmem>>[vector<16xi32>], vector<16xi32>,
      %le3A_1060 = arith.cmpi sle, %gather3A_1059, %add3A_1047 : vector<16xi32>
      %and3A_1061 = arith.andi %le3A_1055, %le3A_1060 : vector<16xi1>
      %select_n3A_1062 = arith.select %and3A_1061, %add3A_1052, %broadcast_in_dim3A_1049 : vector<16xi1>, vector<16xi32>
      %add3A_1063 = arith.constant 1024 : i32
      %add3A_1064 = vector.broadcast %add3A_1063 : i32 to vector<16xi32>
      %add3A_1065 = arith.addi %select_n3A_1062, %add3A_1064 : vector<16xi32>
      %le3A_1066 = arith.constant 4095 : i32
      %le3A_1067 = vector.broadcast %le3A_1066 : i32 to vector<16xi32>
      %le3A_1068 = arith.cmpi sle, %add3A_1065, %le3A_1067 : vector<16xi32>
      %jit3A_1069 = arith.constant 4095 : i32
      %broadcast_in_dim3A_1070 = vector.broadcast %jit3A_1069 : i32 to vector<16xi32>
      %select_n3A_1071 = arith.select %le3A_1068, %add3A_1065, %broadcast_in_dim3A_1070 : vector<16xi1>, vector<16xi32>
      %gather3A_1072 = tpu.vector_load_idx %arg8[%select_n3A_1071] : memref<4096xi32, #tpu.memory_space<vmem>>[vector<16xi32>], vector<16xi32>,
      %le3A_1073 = arith.cmpi sle, %gather3A_1072, %add3A_1047 : vector<16xi32>
      %and3A_1074 = arith.andi %le3A_1068, %le3A_1073 : vector<16xi1>
      %select_n3A_1075 = arith.select %and3A_1074, %add3A_1065, %select_n3A_1062 : vector<16xi1>, vector<16xi32>
      %add3A_1076 = arith.constant 512 : i32
      %add3A_1077 = vector.broadcast %add3A_1076 : i32 to vector<16xi32>
      %add3A_1078 = arith.addi %select_n3A_1075, %add3A_1077 : vector<16xi32>
      %le3A_1079 = arith.constant 4095 : i32
      %le3A_1080 = vector.broadcast %le3A_1079 : i32 to vector<16xi32>
      %le3A_1081 = arith.cmpi sle, %add3A_1078, %le3A_1080 : vector<16xi32>
      %jit3A_1082 = arith.constant 4095 : i32
      %broadcast_in_dim3A_1083 = vector.broadcast %jit3A_1082 : i32 to vector<16xi32>
      %select_n3A_1084 = arith.select %le3A_1081, %add3A_1078, %broadcast_in_dim3A_1083 : vector<16xi1>, vector<16xi32>
      %gather3A_1085 = tpu.vector_load_idx %arg8[%select_n3A_1084] : memref<4096xi32, #tpu.memory_space<vmem>>[vector<16xi32>], vector<16xi32>,
      %le3A_1086 = arith.cmpi sle, %gather3A_1085, %add3A_1047 : vector<16xi32>
      %and3A_1087 = arith.andi %le3A_1081, %le3A_1086 : vector<16xi1>
      %select_n3A_1088 = arith.select %and3A_1087, %add3A_1078, %select_n3A_1075 : vector<16xi1>, vector<16xi32>
      %add3A_1089 = arith.constant 256 : i32
      %add3A_1090 = vector.broadcast %add3A_1089 : i32 to vector<16xi32>
      %add3A_1091 = arith.addi %select_n3A_1088, %add3A_1090 : vector<16xi32>
      %le3A_1092 = arith.constant 4095 : i32
      %le3A_1093 = vector.broadcast %le3A_1092 : i32 to vector<16xi32>
      %le3A_1094 = arith.cmpi sle, %add3A_1091, %le3A_1093 : vector<16xi32>
      %jit3A_1095 = arith.constant 4095 : i32
      %broadcast_in_dim3A_1096 = vector.broadcast %jit3A_1095 : i32 to vector<16xi32>
      %select_n3A_1097 = arith.select %le3A_1094, %add3A_1091, %broadcast_in_dim3A_1096 : vector<16xi1>, vector<16xi32>
      %gather3A_1098 = tpu.vector_load_idx %arg8[%select_n3A_1097] : memref<4096xi32, #tpu.memory_space<vmem>>[vector<16xi32>], vector<16xi32>,
      %le3A_1099 = arith.cmpi sle, %gather3A_1098, %add3A_1047 : vector<16xi32>
      %and3A_1100 = arith.andi %le3A_1094, %le3A_1099 : vector<16xi1>
      %select_n3A_1101 = arith.select %and3A_1100, %add3A_1091, %select_n3A_1088 : vector<16xi1>, vector<16xi32>
      %add3A_1102 = arith.constant 128 : i32
      %add3A_1103 = vector.broadcast %add3A_1102 : i32 to vector<16xi32>
      %add3A_1104 = arith.addi %select_n3A_1101, %add3A_1103 : vector<16xi32>
      %le3A_1105 = arith.constant 4095 : i32
      %le3A_1106 = vector.broadcast %le3A_1105 : i32 to vector<16xi32>
      %le3A_1107 = arith.cmpi sle, %add3A_1104, %le3A_1106 : vector<16xi32>
      %jit3A_1108 = arith.constant 4095 : i32
      %broadcast_in_dim3A_1109 = vector.broadcast %jit3A_1108 : i32 to vector<16xi32>
      %select_n3A_1110 = arith.select %le3A_1107, %add3A_1104, %broadcast_in_dim3A_1109 : vector<16xi1>, vector<16xi32>
      %gather3A_1111 = tpu.vector_load_idx %arg8[%select_n3A_1110] : memref<4096xi32, #tpu.memory_space<vmem>>[vector<16xi32>], vector<16xi32>,
      %le3A_1112 = arith.cmpi sle, %gather3A_1111, %add3A_1047 : vector<16xi32>
      %and3A_1113 = arith.andi %le3A_1107, %le3A_1112 : vector<16xi1>
      %select_n3A_1114 = arith.select %and3A_1113, %add3A_1104, %select_n3A_1101 : vector<16xi1>, vector<16xi32>
      %add3A_1115 = arith.constant 64 : i32
      %add3A_1116 = vector.broadcast %add3A_1115 : i32 to vector<16xi32>
      %add3A_1117 = arith.addi %select_n3A_1114, %add3A_1116 : vector<16xi32>
      %le3A_1118 = arith.constant 4095 : i32
      %le3A_1119 = vector.broadcast %le3A_1118 : i32 to vector<16xi32>
      %le3A_1120 = arith.cmpi sle, %add3A_1117, %le3A_1119 : vector<16xi32>
      %jit3A_1121 = arith.constant 4095 : i32
      %broadcast_in_dim3A_1122 = vector.broadcast %jit3A_1121 : i32 to vector<16xi32>
      %select_n3A_1123 = arith.select %le3A_1120, %add3A_1117, %broadcast_in_dim3A_1122 : vector<16xi1>, vector<16xi32>
      %gather3A_1124 = tpu.vector_load_idx %arg8[%select_n3A_1123] : memref<4096xi32, #tpu.memory_space<vmem>>[vector<16xi32>], vector<16xi32>,
      %le3A_1125 = arith.cmpi sle, %gather3A_1124, %add3A_1047 : vector<16xi32>
      %and3A_1126 = arith.andi %le3A_1120, %le3A_1125 : vector<16xi1>
      %select_n3A_1127 = arith.select %and3A_1126, %add3A_1117, %select_n3A_1114 : vector<16xi1>, vector<16xi32>
      %add3A_1128 = arith.constant 32 : i32
      %add3A_1129 = vector.broadcast %add3A_1128 : i32 to vector<16xi32>
      %add3A_1130 = arith.addi %select_n3A_1127, %add3A_1129 : vector<16xi32>
      %le3A_1131 = arith.constant 4095 : i32
      %le3A_1132 = vector.broadcast %le3A_1131 : i32 to vector<16xi32>
      %le3A_1133 = arith.cmpi sle, %add3A_1130, %le3A_1132 : vector<16xi32>
      %jit3A_1134 = arith.constant 4095 : i32
      %broadcast_in_dim3A_1135 = vector.broadcast %jit3A_1134 : i32 to vector<16xi32>
      %select_n3A_1136 = arith.select %le3A_1133, %add3A_1130, %broadcast_in_dim3A_1135 : vector<16xi1>, vector<16xi32>
      %gather3A_1137 = tpu.vector_load_idx %arg8[%select_n3A_1136] : memref<4096xi32, #tpu.memory_space<vmem>>[vector<16xi32>], vector<16xi32>,
      %le3A_1138 = arith.cmpi sle, %gather3A_1137, %add3A_1047 : vector<16xi32>
      %and3A_1139 = arith.andi %le3A_1133, %le3A_1138 : vector<16xi1>
      %select_n3A_1140 = arith.select %and3A_1139, %add3A_1130, %select_n3A_1127 : vector<16xi1>, vector<16xi32>
      %add3A_1141 = arith.constant 16 : i32
      %add3A_1142 = vector.broadcast %add3A_1141 : i32 to vector<16xi32>
      %add3A_1143 = arith.addi %select_n3A_1140, %add3A_1142 : vector<16xi32>
      %le3A_1144 = arith.constant 4095 : i32
      %le3A_1145 = vector.broadcast %le3A_1144 : i32 to vector<16xi32>
      %le3A_1146 = arith.cmpi sle, %add3A_1143, %le3A_1145 : vector<16xi32>
      %jit3A_1147 = arith.constant 4095 : i32
      %broadcast_in_dim3A_1148 = vector.broadcast %jit3A_1147 : i32 to vector<16xi32>
      %select_n3A_1149 = arith.select %le3A_1146, %add3A_1143, %broadcast_in_dim3A_1148 : vector<16xi1>, vector<16xi32>
      %gather3A_1150 = tpu.vector_load_idx %arg8[%select_n3A_1149] : memref<4096xi32, #tpu.memory_space<vmem>>[vector<16xi32>], vector<16xi32>,
      %le3A_1151 = arith.cmpi sle, %gather3A_1150, %add3A_1047 : vector<16xi32>
      %and3A_1152 = arith.andi %le3A_1146, %le3A_1151 : vector<16xi1>
      %select_n3A_1153 = arith.select %and3A_1152, %add3A_1143, %select_n3A_1140 : vector<16xi1>, vector<16xi32>
      %add3A_1154 = arith.constant 8 : i32
      %add3A_1155 = vector.broadcast %add3A_1154 : i32 to vector<16xi32>
      %add3A_1156 = arith.addi %select_n3A_1153, %add3A_1155 : vector<16xi32>
      %le3A_1157 = arith.constant 4095 : i32
      %le3A_1158 = vector.broadcast %le3A_1157 : i32 to vector<16xi32>
      %le3A_1159 = arith.cmpi sle, %add3A_1156, %le3A_1158 : vector<16xi32>
      %jit3A_1160 = arith.constant 4095 : i32
      %broadcast_in_dim3A_1161 = vector.broadcast %jit3A_1160 : i32 to vector<16xi32>
      %select_n3A_1162 = arith.select %le3A_1159, %add3A_1156, %broadcast_in_dim3A_1161 : vector<16xi1>, vector<16xi32>
      %gather3A_1163 = tpu.vector_load_idx %arg8[%select_n3A_1162] : memref<4096xi32, #tpu.memory_space<vmem>>[vector<16xi32>], vector<16xi32>,
      %le3A_1164 = arith.cmpi sle, %gather3A_1163, %add3A_1047 : vector<16xi32>
      %and3A_1165 = arith.andi %le3A_1159, %le3A_1164 : vector<16xi1>
      %select_n3A_1166 = arith.select %and3A_1165, %add3A_1156, %select_n3A_1153 : vector<16xi1>, vector<16xi32>
      %add3A_1167 = arith.constant 4 : i32
      %add3A_1168 = vector.broadcast %add3A_1167 : i32 to vector<16xi32>
      %add3A_1169 = arith.addi %select_n3A_1166, %add3A_1168 : vector<16xi32>
      %le3A_1170 = arith.constant 4095 : i32
      %le3A_1171 = vector.broadcast %le3A_1170 : i32 to vector<16xi32>
      %le3A_1172 = arith.cmpi sle, %add3A_1169, %le3A_1171 : vector<16xi32>
      %jit3A_1173 = arith.constant 4095 : i32
      %broadcast_in_dim3A_1174 = vector.broadcast %jit3A_1173 : i32 to vector<16xi32>
      %select_n3A_1175 = arith.select %le3A_1172, %add3A_1169, %broadcast_in_dim3A_1174 : vector<16xi1>, vector<16xi32>
      %gather3A_1176 = tpu.vector_load_idx %arg8[%select_n3A_1175] : memref<4096xi32, #tpu.memory_space<vmem>>[vector<16xi32>], vector<16xi32>,
      %le3A_1177 = arith.cmpi sle, %gather3A_1176, %add3A_1047 : vector<16xi32>
      %and3A_1178 = arith.andi %le3A_1172, %le3A_1177 : vector<16xi1>
      %select_n3A_1179 = arith.select %and3A_1178, %add3A_1169, %select_n3A_1166 : vector<16xi1>, vector<16xi32>
      %add3A_1180 = arith.constant 2 : i32
      %add3A_1181 = vector.broadcast %add3A_1180 : i32 to vector<16xi32>
      %add3A_1182 = arith.addi %select_n3A_1179, %add3A_1181 : vector<16xi32>
      %le3A_1183 = arith.constant 4095 : i32
      %le3A_1184 = vector.broadcast %le3A_1183 : i32 to vector<16xi32>
      %le3A_1185 = arith.cmpi sle, %add3A_1182, %le3A_1184 : vector<16xi32>
      %jit3A_1186 = arith.constant 4095 : i32
      %broadcast_in_dim3A_1187 = vector.broadcast %jit3A_1186 : i32 to vector<16xi32>
      %select_n3A_1188 = arith.select %le3A_1185, %add3A_1182, %broadcast_in_dim3A_1187 : vector<16xi1>, vector<16xi32>
      %gather3A_1189 = tpu.vector_load_idx %arg8[%select_n3A_1188] : memref<4096xi32, #tpu.memory_space<vmem>>[vector<16xi32>], vector<16xi32>,
      %le3A_1190 = arith.cmpi sle, %gather3A_1189, %add3A_1047 : vector<16xi32>
      %and3A_1191 = arith.andi %le3A_1185, %le3A_1190 : vector<16xi1>
      %select_n3A_1192 = arith.select %and3A_1191, %add3A_1182, %select_n3A_1179 : vector<16xi1>, vector<16xi32>
      %add3A_1193 = arith.constant 1 : i32
      %add3A_1194 = vector.broadcast %add3A_1193 : i32 to vector<16xi32>
      %add3A_1195 = arith.addi %select_n3A_1192, %add3A_1194 : vector<16xi32>
      %le3A_1196 = arith.constant 4095 : i32
      %le3A_1197 = vector.broadcast %le3A_1196 : i32 to vector<16xi32>
      %le3A_1198 = arith.cmpi sle, %add3A_1195, %le3A_1197 : vector<16xi32>
      %jit3A_1199 = arith.constant 4095 : i32
      %broadcast_in_dim3A_1200 = vector.broadcast %jit3A_1199 : i32 to vector<16xi32>
      %select_n3A_1201 = arith.select %le3A_1198, %add3A_1195, %broadcast_in_dim3A_1200 : vector<16xi1>, vector<16xi32>
      %gather3A_1202 = tpu.vector_load_idx %arg8[%select_n3A_1201] : memref<4096xi32, #tpu.memory_space<vmem>>[vector<16xi32>], vector<16xi32>,
      %le3A_1203 = arith.cmpi sle, %gather3A_1202, %add3A_1047 : vector<16xi32>
      %and3A_1204 = arith.andi %le3A_1198, %le3A_1203 : vector<16xi1>
      %select_n3A_1205 = arith.select %and3A_1204, %add3A_1195, %select_n3A_1192 : vector<16xi1>, vector<16xi32>
      %swap3A_1206 = arith.index_cast %scan3A_33 : i32 to index
      %swap3A_1207 = arith.constant 96 : index
      %swap3A_1208 = tpu.vector_load %arg7[%swap3A_1206, %swap3A_1207] {strides = array<i32>} : memref<50x128xi32, #tpu.memory_space<vmem>>, vector<16xi32>,
      tpu.vector_store %arg7[%swap3A_1206, %swap3A_1207], %select_n3A_1205 {strides = array<i32>} : memref<50x128xi32, #tpu.memory_space<vmem>>, vector<16xi32>,
      %mul3A_1209 = arith.constant 128 : i32
      %mul3A_1210 = arith.muli %scan3A_33, %mul3A_1209 : i32
      %add3A_1211 = arith.addi %mul3A_11, %mul3A_1210 : i32
      %add3A_1212 = arith.constant 112 : i32
      %add3A_1213 = arith.addi %add3A_1211, %add3A_1212 : i32
      %add3A_1214 = vector.broadcast %add3A_1213 : i32 to vector<16xi32>
      %add3A_1215 = arith.addi %add3A_1214, %iota3A : vector<16xi32>
      %broadcast_in_dim3A_1216 = arith.constant 0 : i32
      %broadcast_in_dim3A_1217 = vector.broadcast %broadcast_in_dim3A_1216 : i32 to vector<16xi32>
      %add3A_1218 = arith.constant 2048 : i32
      %add3A_1219 = vector.broadcast %add3A_1218 : i32 to vector<16xi32>
      %add3A_1220 = arith.addi %broadcast_in_dim3A_1217, %add3A_1219 : vector<16xi32>
      %le3A_1221 = arith.constant 4095 : i32
      %le3A_1222 = vector.broadcast %le3A_1221 : i32 to vector<16xi32>
      %le3A_1223 = arith.cmpi sle, %add3A_1220, %le3A_1222 : vector<16xi32>
      %jit3A_1224 = arith.constant 4095 : i32
      %broadcast_in_dim3A_1225 = vector.broadcast %jit3A_1224 : i32 to vector<16xi32>
      %select_n3A_1226 = arith.select %le3A_1223, %add3A_1220, %broadcast_in_dim3A_1225 : vector<16xi1>, vector<16xi32>
      %gather3A_1227 = tpu.vector_load_idx %arg8[%select_n3A_1226] : memref<4096xi32, #tpu.memory_space<vmem>>[vector<16xi32>], vector<16xi32>,
      %le3A_1228 = arith.cmpi sle, %gather3A_1227, %add3A_1215 : vector<16xi32>
      %and3A_1229 = arith.andi %le3A_1223, %le3A_1228 : vector<16xi1>
      %select_n3A_1230 = arith.select %and3A_1229, %add3A_1220, %broadcast_in_dim3A_1217 : vector<16xi1>, vector<16xi32>
      %add3A_1231 = arith.constant 1024 : i32
      %add3A_1232 = vector.broadcast %add3A_1231 : i32 to vector<16xi32>
      %add3A_1233 = arith.addi %select_n3A_1230, %add3A_1232 : vector<16xi32>
      %le3A_1234 = arith.constant 4095 : i32
      %le3A_1235 = vector.broadcast %le3A_1234 : i32 to vector<16xi32>
      %le3A_1236 = arith.cmpi sle, %add3A_1233, %le3A_1235 : vector<16xi32>
      %jit3A_1237 = arith.constant 4095 : i32
      %broadcast_in_dim3A_1238 = vector.broadcast %jit3A_1237 : i32 to vector<16xi32>
      %select_n3A_1239 = arith.select %le3A_1236, %add3A_1233, %broadcast_in_dim3A_1238 : vector<16xi1>, vector<16xi32>
      %gather3A_1240 = tpu.vector_load_idx %arg8[%select_n3A_1239] : memref<4096xi32, #tpu.memory_space<vmem>>[vector<16xi32>], vector<16xi32>,
      %le3A_1241 = arith.cmpi sle, %gather3A_1240, %add3A_1215 : vector<16xi32>
      %and3A_1242 = arith.andi %le3A_1236, %le3A_1241 : vector<16xi1>
      %select_n3A_1243 = arith.select %and3A_1242, %add3A_1233, %select_n3A_1230 : vector<16xi1>, vector<16xi32>
      %add3A_1244 = arith.constant 512 : i32
      %add3A_1245 = vector.broadcast %add3A_1244 : i32 to vector<16xi32>
      %add3A_1246 = arith.addi %select_n3A_1243, %add3A_1245 : vector<16xi32>
      %le3A_1247 = arith.constant 4095 : i32
      %le3A_1248 = vector.broadcast %le3A_1247 : i32 to vector<16xi32>
      %le3A_1249 = arith.cmpi sle, %add3A_1246, %le3A_1248 : vector<16xi32>
      %jit3A_1250 = arith.constant 4095 : i32
      %broadcast_in_dim3A_1251 = vector.broadcast %jit3A_1250 : i32 to vector<16xi32>
      %select_n3A_1252 = arith.select %le3A_1249, %add3A_1246, %broadcast_in_dim3A_1251 : vector<16xi1>, vector<16xi32>
      %gather3A_1253 = tpu.vector_load_idx %arg8[%select_n3A_1252] : memref<4096xi32, #tpu.memory_space<vmem>>[vector<16xi32>], vector<16xi32>,
      %le3A_1254 = arith.cmpi sle, %gather3A_1253, %add3A_1215 : vector<16xi32>
      %and3A_1255 = arith.andi %le3A_1249, %le3A_1254 : vector<16xi1>
      %select_n3A_1256 = arith.select %and3A_1255, %add3A_1246, %select_n3A_1243 : vector<16xi1>, vector<16xi32>
      %add3A_1257 = arith.constant 256 : i32
      %add3A_1258 = vector.broadcast %add3A_1257 : i32 to vector<16xi32>
      %add3A_1259 = arith.addi %select_n3A_1256, %add3A_1258 : vector<16xi32>
      %le3A_1260 = arith.constant 4095 : i32
      %le3A_1261 = vector.broadcast %le3A_1260 : i32 to vector<16xi32>
      %le3A_1262 = arith.cmpi sle, %add3A_1259, %le3A_1261 : vector<16xi32>
      %jit3A_1263 = arith.constant 4095 : i32
      %broadcast_in_dim3A_1264 = vector.broadcast %jit3A_1263 : i32 to vector<16xi32>
      %select_n3A_1265 = arith.select %le3A_1262, %add3A_1259, %broadcast_in_dim3A_1264 : vector<16xi1>, vector<16xi32>
      %gather3A_1266 = tpu.vector_load_idx %arg8[%select_n3A_1265] : memref<4096xi32, #tpu.memory_space<vmem>>[vector<16xi32>], vector<16xi32>,
      %le3A_1267 = arith.cmpi sle, %gather3A_1266, %add3A_1215 : vector<16xi32>
      %and3A_1268 = arith.andi %le3A_1262, %le3A_1267 : vector<16xi1>
      %select_n3A_1269 = arith.select %and3A_1268, %add3A_1259, %select_n3A_1256 : vector<16xi1>, vector<16xi32>
      %add3A_1270 = arith.constant 128 : i32
      %add3A_1271 = vector.broadcast %add3A_1270 : i32 to vector<16xi32>
      %add3A_1272 = arith.addi %select_n3A_1269, %add3A_1271 : vector<16xi32>
      %le3A_1273 = arith.constant 4095 : i32
      %le3A_1274 = vector.broadcast %le3A_1273 : i32 to vector<16xi32>
      %le3A_1275 = arith.cmpi sle, %add3A_1272, %le3A_1274 : vector<16xi32>
      %jit3A_1276 = arith.constant 4095 : i32
      %broadcast_in_dim3A_1277 = vector.broadcast %jit3A_1276 : i32 to vector<16xi32>
      %select_n3A_1278 = arith.select %le3A_1275, %add3A_1272, %broadcast_in_dim3A_1277 : vector<16xi1>, vector<16xi32>
      %gather3A_1279 = tpu.vector_load_idx %arg8[%select_n3A_1278] : memref<4096xi32, #tpu.memory_space<vmem>>[vector<16xi32>], vector<16xi32>,
      %le3A_1280 = arith.cmpi sle, %gather3A_1279, %add3A_1215 : vector<16xi32>
      %and3A_1281 = arith.andi %le3A_1275, %le3A_1280 : vector<16xi1>
      %select_n3A_1282 = arith.select %and3A_1281, %add3A_1272, %select_n3A_1269 : vector<16xi1>, vector<16xi32>
      %add3A_1283 = arith.constant 64 : i32
      %add3A_1284 = vector.broadcast %add3A_1283 : i32 to vector<16xi32>
      %add3A_1285 = arith.addi %select_n3A_1282, %add3A_1284 : vector<16xi32>
      %le3A_1286 = arith.constant 4095 : i32
      %le3A_1287 = vector.broadcast %le3A_1286 : i32 to vector<16xi32>
      %le3A_1288 = arith.cmpi sle, %add3A_1285, %le3A_1287 : vector<16xi32>
      %jit3A_1289 = arith.constant 4095 : i32
      %broadcast_in_dim3A_1290 = vector.broadcast %jit3A_1289 : i32 to vector<16xi32>
      %select_n3A_1291 = arith.select %le3A_1288, %add3A_1285, %broadcast_in_dim3A_1290 : vector<16xi1>, vector<16xi32>
      %gather3A_1292 = tpu.vector_load_idx %arg8[%select_n3A_1291] : memref<4096xi32, #tpu.memory_space<vmem>>[vector<16xi32>], vector<16xi32>,
      %le3A_1293 = arith.cmpi sle, %gather3A_1292, %add3A_1215 : vector<16xi32>
      %and3A_1294 = arith.andi %le3A_1288, %le3A_1293 : vector<16xi1>
      %select_n3A_1295 = arith.select %and3A_1294, %add3A_1285, %select_n3A_1282 : vector<16xi1>, vector<16xi32>
      %add3A_1296 = arith.constant 32 : i32
      %add3A_1297 = vector.broadcast %add3A_1296 : i32 to vector<16xi32>
      %add3A_1298 = arith.addi %select_n3A_1295, %add3A_1297 : vector<16xi32>
      %le3A_1299 = arith.constant 4095 : i32
      %le3A_1300 = vector.broadcast %le3A_1299 : i32 to vector<16xi32>
      %le3A_1301 = arith.cmpi sle, %add3A_1298, %le3A_1300 : vector<16xi32>
      %jit3A_1302 = arith.constant 4095 : i32
      %broadcast_in_dim3A_1303 = vector.broadcast %jit3A_1302 : i32 to vector<16xi32>
      %select_n3A_1304 = arith.select %le3A_1301, %add3A_1298, %broadcast_in_dim3A_1303 : vector<16xi1>, vector<16xi32>
      %gather3A_1305 = tpu.vector_load_idx %arg8[%select_n3A_1304] : memref<4096xi32, #tpu.memory_space<vmem>>[vector<16xi32>], vector<16xi32>,
      %le3A_1306 = arith.cmpi sle, %gather3A_1305, %add3A_1215 : vector<16xi32>
      %and3A_1307 = arith.andi %le3A_1301, %le3A_1306 : vector<16xi1>
      %select_n3A_1308 = arith.select %and3A_1307, %add3A_1298, %select_n3A_1295 : vector<16xi1>, vector<16xi32>
      %add3A_1309 = arith.constant 16 : i32
      %add3A_1310 = vector.broadcast %add3A_1309 : i32 to vector<16xi32>
      %add3A_1311 = arith.addi %select_n3A_1308, %add3A_1310 : vector<16xi32>
      %le3A_1312 = arith.constant 4095 : i32
      %le3A_1313 = vector.broadcast %le3A_1312 : i32 to vector<16xi32>
      %le3A_1314 = arith.cmpi sle, %add3A_1311, %le3A_1313 : vector<16xi32>
      %jit3A_1315 = arith.constant 4095 : i32
      %broadcast_in_dim3A_1316 = vector.broadcast %jit3A_1315 : i32 to vector<16xi32>
      %select_n3A_1317 = arith.select %le3A_1314, %add3A_1311, %broadcast_in_dim3A_1316 : vector<16xi1>, vector<16xi32>
      %gather3A_1318 = tpu.vector_load_idx %arg8[%select_n3A_1317] : memref<4096xi32, #tpu.memory_space<vmem>>[vector<16xi32>], vector<16xi32>,
      %le3A_1319 = arith.cmpi sle, %gather3A_1318, %add3A_1215 : vector<16xi32>
      %and3A_1320 = arith.andi %le3A_1314, %le3A_1319 : vector<16xi1>
      %select_n3A_1321 = arith.select %and3A_1320, %add3A_1311, %select_n3A_1308 : vector<16xi1>, vector<16xi32>
      %add3A_1322 = arith.constant 8 : i32
      %add3A_1323 = vector.broadcast %add3A_1322 : i32 to vector<16xi32>
      %add3A_1324 = arith.addi %select_n3A_1321, %add3A_1323 : vector<16xi32>
      %le3A_1325 = arith.constant 4095 : i32
      %le3A_1326 = vector.broadcast %le3A_1325 : i32 to vector<16xi32>
      %le3A_1327 = arith.cmpi sle, %add3A_1324, %le3A_1326 : vector<16xi32>
      %jit3A_1328 = arith.constant 4095 : i32
      %broadcast_in_dim3A_1329 = vector.broadcast %jit3A_1328 : i32 to vector<16xi32>
      %select_n3A_1330 = arith.select %le3A_1327, %add3A_1324, %broadcast_in_dim3A_1329 : vector<16xi1>, vector<16xi32>
      %gather3A_1331 = tpu.vector_load_idx %arg8[%select_n3A_1330] : memref<4096xi32, #tpu.memory_space<vmem>>[vector<16xi32>], vector<16xi32>,
      %le3A_1332 = arith.cmpi sle, %gather3A_1331, %add3A_1215 : vector<16xi32>
      %and3A_1333 = arith.andi %le3A_1327, %le3A_1332 : vector<16xi1>
      %select_n3A_1334 = arith.select %and3A_1333, %add3A_1324, %select_n3A_1321 : vector<16xi1>, vector<16xi32>
      %add3A_1335 = arith.constant 4 : i32
      %add3A_1336 = vector.broadcast %add3A_1335 : i32 to vector<16xi32>
      %add3A_1337 = arith.addi %select_n3A_1334, %add3A_1336 : vector<16xi32>
      %le3A_1338 = arith.constant 4095 : i32
      %le3A_1339 = vector.broadcast %le3A_1338 : i32 to vector<16xi32>
      %le3A_1340 = arith.cmpi sle, %add3A_1337, %le3A_1339 : vector<16xi32>
      %jit3A_1341 = arith.constant 4095 : i32
      %broadcast_in_dim3A_1342 = vector.broadcast %jit3A_1341 : i32 to vector<16xi32>
      %select_n3A_1343 = arith.select %le3A_1340, %add3A_1337, %broadcast_in_dim3A_1342 : vector<16xi1>, vector<16xi32>
      %gather3A_1344 = tpu.vector_load_idx %arg8[%select_n3A_1343] : memref<4096xi32, #tpu.memory_space<vmem>>[vector<16xi32>], vector<16xi32>,
      %le3A_1345 = arith.cmpi sle, %gather3A_1344, %add3A_1215 : vector<16xi32>
      %and3A_1346 = arith.andi %le3A_1340, %le3A_1345 : vector<16xi1>
      %select_n3A_1347 = arith.select %and3A_1346, %add3A_1337, %select_n3A_1334 : vector<16xi1>, vector<16xi32>
      %add3A_1348 = arith.constant 2 : i32
      %add3A_1349 = vector.broadcast %add3A_1348 : i32 to vector<16xi32>
      %add3A_1350 = arith.addi %select_n3A_1347, %add3A_1349 : vector<16xi32>
      %le3A_1351 = arith.constant 4095 : i32
      %le3A_1352 = vector.broadcast %le3A_1351 : i32 to vector<16xi32>
      %le3A_1353 = arith.cmpi sle, %add3A_1350, %le3A_1352 : vector<16xi32>
      %jit3A_1354 = arith.constant 4095 : i32
      %broadcast_in_dim3A_1355 = vector.broadcast %jit3A_1354 : i32 to vector<16xi32>
      %select_n3A_1356 = arith.select %le3A_1353, %add3A_1350, %broadcast_in_dim3A_1355 : vector<16xi1>, vector<16xi32>
      %gather3A_1357 = tpu.vector_load_idx %arg8[%select_n3A_1356] : memref<4096xi32, #tpu.memory_space<vmem>>[vector<16xi32>], vector<16xi32>,
      %le3A_1358 = arith.cmpi sle, %gather3A_1357, %add3A_1215 : vector<16xi32>
      %and3A_1359 = arith.andi %le3A_1353, %le3A_1358 : vector<16xi1>
      %select_n3A_1360 = arith.select %and3A_1359, %add3A_1350, %select_n3A_1347 : vector<16xi1>, vector<16xi32>
      %add3A_1361 = arith.constant 1 : i32
      %add3A_1362 = vector.broadcast %add3A_1361 : i32 to vector<16xi32>
      %add3A_1363 = arith.addi %select_n3A_1360, %add3A_1362 : vector<16xi32>
      %le3A_1364 = arith.constant 4095 : i32
      %le3A_1365 = vector.broadcast %le3A_1364 : i32 to vector<16xi32>
      %le3A_1366 = arith.cmpi sle, %add3A_1363, %le3A_1365 : vector<16xi32>
      %jit3A_1367 = arith.constant 4095 : i32
      %broadcast_in_dim3A_1368 = vector.broadcast %jit3A_1367 : i32 to vector<16xi32>
      %select_n3A_1369 = arith.select %le3A_1366, %add3A_1363, %broadcast_in_dim3A_1368 : vector<16xi1>, vector<16xi32>
      %gather3A_1370 = tpu.vector_load_idx %arg8[%select_n3A_1369] : memref<4096xi32, #tpu.memory_space<vmem>>[vector<16xi32>], vector<16xi32>,
      %le3A_1371 = arith.cmpi sle, %gather3A_1370, %add3A_1215 : vector<16xi32>
      %and3A_1372 = arith.andi %le3A_1366, %le3A_1371 : vector<16xi1>
      %select_n3A_1373 = arith.select %and3A_1372, %add3A_1363, %select_n3A_1360 : vector<16xi1>, vector<16xi32>
      %swap3A_1374 = arith.index_cast %scan3A_33 : i32 to index
      %swap3A_1375 = arith.constant 112 : index
      %swap3A_1376 = tpu.vector_load %arg7[%swap3A_1374, %swap3A_1375] {strides = array<i32>} : memref<50x128xi32, #tpu.memory_space<vmem>>, vector<16xi32>,
      tpu.vector_store %arg7[%swap3A_1374, %swap3A_1375], %select_n3A_1373 {strides = array<i32>} : memref<50x128xi32, #tpu.memory_space<vmem>>, vector<16xi32>,
      %jit3A_1377 = arith.constant 2 : i32
      %eq3A = arith.constant 0 : i32
      %eq3A_1378 = arith.cmpi eq, %jit3A_1377, %eq3A : i32
      %jit3A_1379 = arith.constant 1 : i32
      %select_n3A_1380 = arith.select %eq3A_1378, %jit3A_1379, %jit3A_1377 : i32
      %rem3A = arith.remsi %scan3A_33, %select_n3A_1380 : i32
      %ne3A = arith.constant 0 : i32
      %ne3A_1381 = arith.cmpi ne, %rem3A, %ne3A : i32
      %lt3A_1382 = arith.constant 0 : i32
      %lt3A_1383 = arith.cmpi slt, %rem3A, %lt3A_1382 : i32
      %lt3A_1384 = arith.constant 0 : i32
      %lt3A_1385 = arith.cmpi slt, %select_n3A_1380, %lt3A_1384 : i32
      %ne3A_1386 = arith.xori %lt3A_1383, %lt3A_1385 : i1
      %and3A_1387 = arith.andi %ne3A_1386, %ne3A_1381 : i1
      %add3A_1388 = arith.addi %rem3A, %select_n3A_1380 : i32
      %select_n3A_1389 = arith.select %and3A_1387, %add3A_1388, %rem3A : i32
      %dma_wait3A = arith.constant 0 : i32
      %dma_wait3A_1390 = arith.constant 0 : i32
      %dma_wait3A_1391 = tpu.memref_slice %arg9[%select_n3A_1389, %dma_wait3A, %dma_wait3A_1390] : memref<2x128x64xf32, #tpu.memory_space<vmem>> -> memref<1x128x64xf32, #tpu.memory_space<vmem>>
      %dma_wait3A_1392 = tpu.memref_squeeze %dma_wait3A_1391 : memref<1x128x64xf32, #tpu.memory_space<vmem>> -> memref<128x64xf32, #tpu.memory_space<vmem>>
      %dma_wait3A_1393 = arith.constant 0 : i32
      %dma_wait3A_1394 = tpu.memref_slice %arg6[%scan3A_33, %dma_wait3A_1393] : memref<50x128xi32, #tpu.memory_space<vmem>> -> memref<1x128xi32, #tpu.memory_space<vmem>>
      %dma_wait3A_1395 = tpu.memref_squeeze %dma_wait3A_1394 : memref<1x128xi32, #tpu.memory_space<vmem>> -> memref<128xi32, #tpu.memory_space<vmem>>
      %dma_wait3A_1396 = arith.constant 0 : i32
      %dma_wait3A_1397 = arith.constant 0 : i32
      %dma_wait3A_1398 = tpu.memref_slice %arg4[%dma_wait3A_1396, %dma_wait3A_1397] : memref<100000x64xf32, #tpu.memory_space<hbm>> -> memref<100000x64xf32, #tpu.memory_space<hbm>>
      tpu.wait_indirect_dma semaphore(%arg12 : memref<!tpu.dma_semaphore, #tpu.memory_space<semaphore_mem>>) src(%dma_wait3A_1398 : memref<100000x64xf32, #tpu.memory_space<hbm>>) dst(%dma_wait3A_1392 : memref<128x64xf32, #tpu.memory_space<vmem>>)
      %jit3A_1399 = arith.constant 2 : i32
      %eq3A_1400 = arith.constant 0 : i32
      %eq3A_1401 = arith.cmpi eq, %jit3A_1399, %eq3A_1400 : i32
      %jit3A_1402 = arith.constant 1 : i32
      %select_n3A_1403 = arith.select %eq3A_1401, %jit3A_1402, %jit3A_1399 : i32
      %rem3A_1404 = arith.remsi %scan3A_33, %select_n3A_1403 : i32
      %ne3A_1405 = arith.constant 0 : i32
      %ne3A_1406 = arith.cmpi ne, %rem3A_1404, %ne3A_1405 : i32
      %lt3A_1407 = arith.constant 0 : i32
      %lt3A_1408 = arith.cmpi slt, %rem3A_1404, %lt3A_1407 : i32
      %lt3A_1409 = arith.constant 0 : i32
      %lt3A_1410 = arith.cmpi slt, %select_n3A_1403, %lt3A_1409 : i32
      %ne3A_1411 = arith.xori %lt3A_1408, %lt3A_1410 : i1
      %and3A_1412 = arith.andi %ne3A_1411, %ne3A_1406 : i1
      %add3A_1413 = arith.addi %rem3A_1404, %select_n3A_1403 : i32
      %select_n3A_1414 = arith.select %and3A_1412, %add3A_1413, %rem3A_1404 : i32
      "tpu.region"() ({
        %run_scoped3A = tpu.sem_alloc : memref<!tpu.dma_semaphore, #tpu.memory_space<semaphore_mem>>
        %dma_start3A_1416 = arith.constant 0 : i32
        %dma_start3A_1417 = arith.constant 0 : i32
        %dma_start3A_1418 = tpu.memref_slice %arg9[%select_n3A_1414, %dma_start3A_1416, %dma_start3A_1417] : memref<2x128x64xf32, #tpu.memory_space<vmem>> -> memref<1x128x64xf32, #tpu.memory_space<vmem>>
        %dma_start3A_1419 = tpu.memref_squeeze %dma_start3A_1418 : memref<1x128x64xf32, #tpu.memory_space<vmem>> -> memref<128x64xf32, #tpu.memory_space<vmem>>
        %dma_start3A_1420 = arith.constant 0 : i32
        %dma_start3A_1421 = tpu.memref_slice %arg7[%scan3A_33, %dma_start3A_1420] : memref<50x128xi32, #tpu.memory_space<vmem>> -> memref<1x128xi32, #tpu.memory_space<vmem>>
        %dma_start3A_1422 = tpu.memref_squeeze %dma_start3A_1421 : memref<1x128xi32, #tpu.memory_space<vmem>> -> memref<128xi32, #tpu.memory_space<vmem>>
        %dma_start3A_1423 = arith.constant 0 : i32
        %dma_start3A_1424 = arith.constant 0 : i32
        %dma_start3A_1425 = tpu.memref_slice %arg11[%dma_start3A_1423, %dma_start3A_1424] : memref<4096x64xf32, #tpu.memory_space<vmem_shared>> -> memref<4096x64xf32, #tpu.memory_space<vmem_shared>>
        tpu.enqueue_indirect_dma source(%dma_start3A_1419 : memref<128x64xf32, #tpu.memory_space<vmem>>) target(%dma_start3A_1425 : memref<4096x64xf32, #tpu.memory_space<vmem_shared>>) offsets(%dma_start3A_1422 : memref<128xi32, #tpu.memory_space<vmem>>) semaphore(%run_scoped3A : memref<!tpu.dma_semaphore, #tpu.memory_space<semaphore_mem>>) {add = true}
        %dma_wait3A_1426 = arith.constant 0 : i32
        %dma_wait3A_1427 = arith.constant 0 : i32
        %dma_wait3A_1428 = tpu.memref_slice %arg9[%select_n3A_1414, %dma_wait3A_1426, %dma_wait3A_1427] : memref<2x128x64xf32, #tpu.memory_space<vmem>> -> memref<1x128x64xf32, #tpu.memory_space<vmem>>
        %dma_wait3A_1429 = tpu.memref_squeeze %dma_wait3A_1428 : memref<1x128x64xf32, #tpu.memory_space<vmem>> -> memref<128x64xf32, #tpu.memory_space<vmem>>
        %dma_wait3A_1430 = arith.constant 0 : i32
        %dma_wait3A_1431 = tpu.memref_slice %arg7[%scan3A_33, %dma_wait3A_1430] : memref<50x128xi32, #tpu.memory_space<vmem>> -> memref<1x128xi32, #tpu.memory_space<vmem>>
        %dma_wait3A_1432 = tpu.memref_squeeze %dma_wait3A_1431 : memref<1x128xi32, #tpu.memory_space<vmem>> -> memref<128xi32, #tpu.memory_space<vmem>>
        %dma_wait3A_1433 = arith.constant 0 : i32
        %dma_wait3A_1434 = arith.constant 0 : i32
        %dma_wait3A_1435 = tpu.memref_slice %arg11[%dma_wait3A_1433, %dma_wait3A_1434] : memref<4096x64xf32, #tpu.memory_space<vmem_shared>> -> memref<4096x64xf32, #tpu.memory_space<vmem_shared>>
        tpu.wait_indirect_dma semaphore(%run_scoped3A : memref<!tpu.dma_semaphore, #tpu.memory_space<semaphore_mem>>) src(%dma_wait3A_1429 : memref<128x64xf32, #tpu.memory_space<vmem>>) dst(%dma_wait3A_1435 : memref<4096x64xf32, #tpu.memory_space<vmem_shared>>)
        tpu.yield
      }) : () -> ()
      %scan3A_1415 = arith.constant 0 : i32
      scf.yield %scan3A_1415 : i32
    }
    %scan3A_29 = arith.constant 50 : i32
    %barrier3A_30 = arith.constant 0 : index
    tpu.barrier barrier_id(%barrier3A_30)
    %mul3A_31 = arith.constant 256 : i32
    %mul3A_32 = arith.muli %arg1, %mul3A_31 : i32
    "tpu.region"() ({
      %run_scoped3A = tpu.sem_alloc : memref<!tpu.dma_semaphore, #tpu.memory_space<semaphore_mem>>
      %dma_start3A_33 = arith.constant 0 : i32
      %dma_start3A_34 = tpu.memref_slice %arg5[%arg0, %mul3A_32, %dma_start3A_33] : memref<2x4096x64xf32, #tpu.memory_space<hbm>> -> memref<1x256x64xf32, #tpu.memory_space<hbm>>
      %dma_start3A_35 = tpu.memref_squeeze %dma_start3A_34 : memref<1x256x64xf32, #tpu.memory_space<hbm>> -> memref<256x64xf32, #tpu.memory_space<hbm>>
      %dma_start3A_36 = arith.constant 0 : i32
      %dma_start3A_37 = tpu.memref_slice %arg11[%mul3A_32, %dma_start3A_36] : memref<4096x64xf32, #tpu.memory_space<vmem_shared>> -> memref<256x64xf32, #tpu.memory_space<vmem_shared>>
      tpu.enqueue_dma source(%dma_start3A_37 : memref<256x64xf32, #tpu.memory_space<vmem_shared>>) target(%dma_start3A_35 : memref<256x64xf32, #tpu.memory_space<hbm>>) target_semaphore(%run_scoped3A : memref<!tpu.dma_semaphore, #tpu.memory_space<semaphore_mem>>)
      %dma_wait3A = arith.constant 0 : i32
      %dma_wait3A_38 = tpu.memref_slice %arg5[%arg0, %mul3A_32, %dma_wait3A] : memref<2x4096x64xf32, #tpu.memory_space<hbm>> -> memref<1x256x64xf32, #tpu.memory_space<hbm>>
      %dma_wait3A_39 = tpu.memref_squeeze %dma_wait3A_38 : memref<1x256x64xf32, #tpu.memory_space<hbm>> -> memref<256x64xf32, #tpu.memory_space<hbm>>
      %dma_wait3A_40 = arith.constant 0 : i32
      %dma_wait3A_41 = tpu.memref_slice %arg11[%mul3A_32, %dma_wait3A_40] : memref<4096x64xf32, #tpu.memory_space<vmem_shared>> -> memref<256x64xf32, #tpu.memory_space<vmem_shared>>
      tpu.wait_dma2 semaphore(%run_scoped3A : memref<!tpu.dma_semaphore, #tpu.memory_space<semaphore_mem>>) src(%dma_wait3A_41 : memref<256x64xf32, #tpu.memory_space<vmem_shared>>) dst(%dma_wait3A_39 : memref<256x64xf32, #tpu.memory_space<hbm>>)
      tpu.yield
    }) : () -> ()
    return
  }
}

module attributes {stable_mosaic.version = 14 : i64} {
  func.func @_tc_add(%arg0: memref<2x4096x64xf32, #tpu.memory_space<vmem>>, %arg1: memref<4096x64xf32, #tpu.memory_space<vmem>>) attributes {dimension_semantics = [], scalar_prefetch = 0 : i64, scratch_operands = 0 : i64, tpu.core_type = #tpu.core_type<tc>} {
    %get3A = arith.constant 0 : index
    %get3A_0 = arith.constant 0 : index
    %get3A_1 = arith.constant 0 : index
    %get3A_2 = vector.load %arg0[%get3A, %get3A_0, %get3A_1] : memref<2x4096x64xf32, #tpu.memory_space<vmem>>, vector<1x4096x64xf32>
    %get3A_3 = vector.shape_cast %get3A_2 : vector<1x4096x64xf32> to vector<4096x64xf32>
    %get3A_4 = arith.constant 1 : index
    %get3A_5 = arith.constant 0 : index
    %get3A_6 = arith.constant 0 : index
    %get3A_7 = vector.load %arg0[%get3A_4, %get3A_5, %get3A_6] : memref<2x4096x64xf32, #tpu.memory_space<vmem>>, vector<1x4096x64xf32>
    %get3A_8 = vector.shape_cast %get3A_7 : vector<1x4096x64xf32> to vector<4096x64xf32>
    %add3A = arith.addf %get3A_3, %get3A_8 : vector<4096x64xf32>
    %swap3A = arith.constant 0 : index
    %swap3A_9 = arith.constant 0 : index
    %swap3A_10 = vector.load %arg1[%swap3A, %swap3A_9] : memref<4096x64xf32, #tpu.memory_space<vmem>>, vector<4096x64xf32>
    tpu.vector_store %arg1[%swap3A, %swap3A_9], %add3A {strides = array<i32>} : memref<4096x64xf32, #tpu.memory_space<vmem>>, vector<4096x64xf32>,
    return
  }
}

</mosaic_0001>

<sc_bundles>
// kernel: kernel.4.cloned.1.call-start
scs
__scs_entry_jumppad:
0x0: {  	(pc) =	sbr.rel $0x88, $3  }
0x1: {  	(tag) =	ssettag $0x0;
	lr =	simm.s32 $0x1  }
0x2: {  	[smem:$0x3F9E] =	sst lr;
	_ =	strace $0xD0000000  }
0x3: {  	_ = 	snop  }
0x4: {  	_ = 	snop  }
0x5: {  	_ = 	snop  }
0x6: {  	_ = 	snop  }
0x7: {  	_ = 	snop  }
__scs_overlays_trampoline_lowered:
0x8: {  	[smem:$0x3FAD] =	sst s0  }
0x9: {  	[smem:$0x3FAE] =	sst s1  }
0xa: {  	[smem:$0x3FAF] =	sst s2  }
0xb: {  	[smem:$0x3FB0] =	sst s3  }
0xc: {  	[smem:$0x3FB1] =	sst s4  }
0xd: {  	[smem:$0x3FB2] =	sst s5  }
0xe: {  	[smem:$0x3FB3] =	sst s6  }
0xf: {  	[smem:$0x3FB4] =	sst s7  }
0x10: {  	[smem:$0x3FB5] =	sst s8  }
0x11: {  	[smem:$0x3FB6] =	sst s9;
	s0 =	simm.s32 @!p0 $0x0  }
0x12: {  	s1 =	sld [smem:$0x3F9C];
	s0 =	simm.s32 @p0 $0x1  }
0x13: {  	[smem:$0x3FB7] =	sst s0;
	s0 =	simm.s32 @!p1 $0x0  }
0x14: {  	s2 =	sld [smem:$0x3F9B];
	s0 =	simm.s32 @p1 $0x1  }
0x15: {  	[smem:$0x3FB8] =	sst s0;
	s0 =	simm.s32 @!p2 $0x0  }
0x16: {  	s3 =	sld [smem:$0x3FDB];
	s0 =	simm.s32 @p2 $0x1  }
0x17: {  	s4 =	simm.s32 $0x1BF5;
	[smem:$0x3FBA] =	sst s0  }
0x18: {  	s0 =	sld [smem:$0x3F9D];
	_ =	swait.ge [sflag:s4], $0x0  }
0x19: {  	s7 =	sld [smem:$0x3F9E]  }
0x1a: {  	s8 =	sadd.s32 $0xFFFFE003, lr  }
0x1b: {  	s9 =	sadd.s32 $0xFFFFFEF7, lr;
	s5 =	simm.s32 $0xFFFFFFFF;
	p2 =	slt.u32 s8, $0xFFFFF086  }
0x1c: {  	p1 =	slt.u32 s9, $0xF7A;
	s5 =	simm.s32 @!p2 $0x0  }
0x1d: {  	s5 =	simm.s32 @p1 $0x1;
	p0 =	seq.s32 s7, s2  }
0x1e: {  	s7 =	smul.u32 @!p0 $0xF7A, s2;
	p2 =	seq.s32 @!p0 s5, $0x0  }
0x1f: {  	s9 =	smul.u32 $0xF7A, s1;
	s8 =	simm.s32 @!p0 $0x1BF5;
	p2 =	por !p2, p0  }
0x20: {  	[sflag:s8] =	ssyncset.s32 @!p0 $0xFFFFF086;
	s6 =	sadd.s32 @!p0 s3, s7;
	s7 =	simm.s32 @!p0 $0x108  }
0x21: {  	s3 =	sadd.s32 s3, s9;
	s6 =	sadd.s32 @!p0 $0x88, s6;
	s7 =	simm.s32 @p2 $0x1082  }
0x22: {  	[simem:s7], [sflag:s8] =	dma.local @!p0 [hbm:s6], $0xF7A  }
0x23: {  	s9 =	sor.u32 $0xD0000000, s2;
	s6 =	simm.s32 $0x108;
	_ =	swait.ge @!p0 [sflag:s8], $0x0  }
0x24: {  	s3 =	sadd.s32 $0x88, s3;
	s6 =	simm.s32 @!p1 $0x1082;
	[sflag:s4] =	ssyncset.s32 $0xFFFFF086  }
0x25: {  	[simem:s6], [sflag:s4] =	dma.local [hbm:s3], $0xF7A  }
0x26: {  	[smem:$0x3F9E] =	sst s1;
	(tag) =	ssettag s2;
	_ =	strace s9  }
0x27: {  	s1 =	sld [smem:$0x3FAE]  }
0x28: {  	s2 =	sld [smem:$0x3FAF]  }
0x29: {  	s4 =	sld [smem:$0x3FB1]  }
0x2a: {  	p0 =	seq.s32 s5, $0x0;
	s5 =	sld [smem:$0x3FB2]  }
0x2b: {  	s6 =	sld [smem:$0x3FB3]  }
0x2c: {  	s7 =	sld [smem:$0x3FB4]  }
0x2d: {  	s3 =	simm.s32 $0x108;
	s8 =	sld [smem:$0x3FB5]  }
0x2e: {  	s3 =	simm.s32 @!p0 $0x1082;
	s9 =	sld [smem:$0x3FB6]  }
0x2f: {  	lr =	sadd.s32 s0, s3;
	s0 =	sld [smem:$0x3FAD]  }
0x30: {  	s3 =	sld [smem:$0x3FB0]  }
0x31: {  	[smem:$0x3FB9] =	sst s10  }
0x32: {  	s10 =	sld [smem:$0x3FB7];
	_ =	sdelay $0x3  }
0x33: {  	p0 =	seq.s32 s10, $0x1;
	s10 =	sld [smem:$0x3FB9];
	_ =	sdelay $0x3  }
0x34: {  	[smem:$0x3FB9] =	sst s10  }
0x35: {  	s10 =	sld [smem:$0x3FB8];
	_ =	sdelay $0x3  }
0x36: {  	p1 =	seq.s32 s10, $0x1;
	s10 =	sld [smem:$0x3FB9];
	_ =	sdelay $0x3  }
0x37: {  	[smem:$0x3FB9] =	sst s10  }
0x38: {  	s10 =	sld [smem:$0x3FBA]  }
0x39: {  	_ = 	snop;
	(pc) =	sbr.ind lr, $3  }
0x3a: {  	_ = 	snop  }
0x3b: {  	_ = 	snop  }
0x3c: {  	p2 =	seq.s32 s10, $0x1;
	s10 =	sld [smem:$0x3FB9]  }
0x3d: {  	_ =	shalt  }
0x3e: {  	_ =	shalt  }
0x3f: {  	_ =	shalt  }
0x40: {  	_ =	shalt  }
0x41: {  	_ =	shalt  }
0x42: {  	_ =	shalt  }
0x43: {  	_ =	shalt  }
0x44: {  	_ =	shalt  }
0x45: {  	_ =	shalt  }
0x46: {  	_ =	shalt  }
0x47: {  	_ =	shalt  }
0x48: {  	_ =	shalt  }
0x49: {  	_ =	shalt  }
0x4a: {  	_ =	shalt  }
0x4b: {  	_ =	shalt  }
0x4c: {  	_ =	shalt  }
0x4d: {  	_ =	shalt  }
0x4e: {  	_ =	shalt  }
0x4f: {  	_ =	shalt  }
0x50: {  	_ =	shalt  }
0x51: {  	_ =	shalt  }
0x52: {  	_ =	shalt  }
0x53: {  	_ =	shalt  }
0x54: {  	_ =	shalt  }
0x55: {  	_ =	shalt  }
0x56: {  	_ =	shalt  }
0x57: {  	_ =	shalt  }
0x58: {  	_ =	shalt  }
0x59: {  	_ =	shalt  }
0x5a: {  	_ =	shalt  }
0x5b: {  	_ =	shalt  }
0x5c: {  	_ =	shalt  }
0x5d: {  	_ =	shalt  }
0x5e: {  	_ =	shalt  }
0x5f: {  	_ =	shalt  }
0x60: {  	_ =	shalt  }
0x61: {  	_ =	shalt  }
0x62: {  	_ =	shalt  }
0x63: {  	_ =	shalt  }
0x64: {  	_ =	shalt  }
0x65: {  	_ =	shalt  }
0x66: {  	_ =	shalt  }
0x67: {  	_ =	shalt  }
0x68: {  	_ =	shalt  }
0x69: {  	_ =	shalt  }
0x6a: {  	_ =	shalt  }
0x6b: {  	_ =	shalt  }
0x6c: {  	_ =	shalt  }
0x6d: {  	_ =	shalt  }
0x6e: {  	_ =	shalt  }
0x6f: {  	_ =	shalt  }
0x70: {  	_ =	shalt  }
0x71: {  	_ =	shalt  }
0x72: {  	_ =	shalt  }
0x73: {  	_ =	shalt  }
0x74: {  	_ =	shalt  }
0x75: {  	_ =	shalt  }
0x76: {  	_ =	shalt  }
0x77: {  	_ =	shalt  }
0x78: {  	_ =	shalt  }
0x79: {  	_ =	shalt  }
0x7a: {  	_ =	shalt  }
0x7b: {  	_ =	shalt  }
0x7c: {  	_ =	shalt  }
0x7d: {  	_ =	shalt  }
0x7e: {  	_ =	shalt  }
0x7f: {  	_ =	shalt  }
0x80: {  	_ =	shalt  }
0x81: {  	_ =	shalt  }
0x82: {  	_ =	shalt  }
0x83: {  	_ =	shalt  }
0x84: {  	_ =	shalt  }
0x85: {  	_ =	shalt  }
0x86: {  	_ =	shalt  }
0x87: {  	_ =	shalt  }
.Lfunc_end0:
.L_simem_size_0:
called_computation_lowered:
.L_overlay_start_0:
0x88: {  	s2 =	sld [smem:$0x3FD9]  }
0x89: {  	s3 =	sld [smem:$0x3FFE];
	_ =	sdelay $0x1  }
0x8a: {  	s1 =	srdreg.scid  }
0x8b: {  	s0 =	sand.u32 $0x1, s1  }
0x8c: {  	s17 =	sshll.u32 s0, $0xA;
	s2 =	sadd.s32 s3, s2  }
0x8d: {  	s2 =	sadd.s32 s2, s17  }
0x8e: {  	[smem:$0x3FC5] =	sst s2  }
0x8f: {  	_ = 	snop  }
0x90: {  	s2 =	sld [smem:$0x3FC9]  }
0x91: {  	s18 =	sld [smem:$0x3FC8];
	(tm) =	ssettm $0x1  }
0x92: {  	s4 =	sld [smem:$0x3FFB];
	_ =	sdelay $0x3  }
0x93: {  	_ =	strace s4  }
0x94: {  	s4 =	sld [smem:$0x3FFC];
	_ =	sdelay $0x3  }
0x95: {  	_ =	strace s4  }
0x96: {  	s4 =	sld [smem:$0x3FFD];
	_ =	sdelay $0x3  }
0x97: {  	_ =	strace s4  }
0x98: {  	_ =	strace $0x8FFFFFFF  }
0x99: {  	s19 =	sld [smem:$0x3FDB];
	_ =	sdelay $0x1  }
0x9a: {  	s5 =	simm.s32 $_scs_section_size  }
0x9b: {  	s6 =	simm.s32 $_size__tile_overlayer_lowered;
	s7 =	simm.s32 $_tile_overlayer_lowered  }
0x9c: {  	s22 =	simm.s32 $0x1BFF;
	s21 =	sshll.u32 s7, $0x1;
	s4 =	sadd.s32 s5, s19  }
0x9d: {  	s8 =	simm.s32 $0x0;
	s20 =	sshll.u32 s6, $0x1;
	s6 =	sadd.s32 s21, s4  }
0x9e: {  	[timem:s8], [sflag:s22] =	dma.local [hbm:s6], s20  }
0x9f: {  	_ =	swait.ge [sflag:s22], s20  }
0xa0: {  	s5 =	ssub.s32 $0x0, s20;
	[sflag:s22] =	ssyncset.done $0x0  }
0xa1: {  	[sflag:s22] =	ssyncadd.s32 s5;
	_ =	sdelay $0x1  }
0xa2: {  	s23 =	simm.s32 $0x1B8B  }
0xa3: {  	_ =	swait.ge [sflag:s23], $0x1  }
0xa4: {  	[sflag:s23] =	ssyncset.done $0x0  }
0xa5: {  	s25 =	simm.s32 $0x1B8E;
	s24 =	sld [smem:$0x3FFE];
	[sflag:s23] =	ssyncadd.s32 $0xFFFFFFFF  }
0xa6: {  	s26 =	simm.s32 $execute0_lowered;
	[smem:$0x3FD2] =	sst s25  }
0xa7: {  	s6 =	sshll.u32 s26, $0x1;
	_ =	strace $0x80000046;
	[dreg:$0x1] =	wrdreg $0xFFFFFFFF  }
0xa8: {  	s28 =	simm.s32 $_size_execute0_lowered;
	s4 =	sadd.s32 s4, s6;
	[dreg:$0x0] =	wrdreg $0x0  }
0xa9: {  	s6 =	sshll.u32 s28, $0x1;
	[dreg:$0x2] =	wrdreg s4  }
0xaa: {  	[dreg:$0x3] =	wrdreg s6  }
0xab: {  	[dreg:$0x4] =	wrdreg $0xC0  }
0xac: {  	_ =	task [dreg:s8], $0x5FFFF  }
0xad: {  	[dreg:$0x1] =	wrdreg $0xFFFFFFFF  }
0xae: {  	[dreg:$0x0] =	wrdreg $0x60  }
0xaf: {  	[dreg:$0x2] =	wrdreg s2  }
0xb0: {  	[dreg:$0x3] =	wrdreg s18  }
0xb1: {  	[dreg:$0x4] =	wrdreg s24  }
0xb2: {  	[dreg:$0x5] =	wrdreg $0xC2000  }
0xb3: {  	[dreg:$0x6] =	wrdreg $0x9  }
0xb4: {  	_ =	task.clear_ibuf [dreg:s8], $0x7FFFF;
	_ =	strace $0x90000046  }
0xb5: {  	s29 =	simm.s32 $0x9;
	_ =	strace $0x80000048  }
0xb6: {  	_ =	swait.ge [sflag:s29], $0x1  }
0xb7: {  	[sflag:s29] =	ssyncadd.s32 $0xFFFFFFFF  }
0xb8: {  	_ =	strace $0x90000048  }
0xb9: {  	_ =	sfence  }
0xba: {  	s30 =	sld [smem:$0x0];
	_ =	sdelay $0x2  }
0xbb: {  	s31 =	sshll.u32 s1, $0xD;
	s1 =	sshrl.u32 s1, $0x2  }
0xbc: {  	s3 =	sand.u32 $0x4000, s31;
	s1 =	sadd.s32 s1, s30  }
0xbd: {  	s0 =	sor.u32 s3, s0;
	s1 =	sshll.u32 s1, $0x11  }
0xbe: {  	s0 =	sor.u32 s1, s0  }
0xbf: {  	s0 =	sadd.s32 $0x8F2B, s0  }
0xc0: {  	[sflag:s0] =	ssyncadd.remote.s32 $0x1  }
0xc1: {  	_ =	sfence.sel $0xFFFF  }
0xc2: {  	[dreg:$0x0] =	wrdreg $0xFFFFFFFF;
	(pc) =	sbr.abs _section_cstart, $3  }
0xc3: {  	[dreg:$0x1] =	wrdreg $0xFFFFFFFF  }
0xc4: {  	_ =	task.clear_ibuf [dreg:s8], $0x2FFFF;
	_ =	strace $0x9FFFFFFF  }
0xc5: {  	(tm) =	ssettm $0x7FFFFFFF  }
tec
execute0_lowered:
.L_overlay_start_1:
0x0: {  	(tag) =	ssettag $0x1  }
0x1: {  	s7 =	rddreg [dreg:$0x0]  }
0x2: {  	s1 =	rddreg [dreg:$0x1]  }
0x3: {  	s6 =	rddreg [dreg:$0x2]  }
0x4: {  	s2 =	rddreg [dreg:$0x3]  }
0x5: {  	s0 =	rddreg [dreg:$0x4];
	s4 =	simm.s32 $0x0;
	s5 =	srdreg.scid  }
0x6: {  	s3 =	stileid.u32;
	s15 =	simm.s32 $0x1;
	s16 =	simm.s32 $0x80  }
0x7: {  	[smem:$0x7FF] =	sst s4;
	s8 =	sand.u32 $0x1, s5;
	s9 =	sshll.u32 s3, $0xE  }
0x8: {  	s13 =	smul.u32 $0x1900, s3;
	s5 =	sshll.u32 s8, $0x12;
	s10 =	sshll.u32 s8, $0x4  }
0x9: {  	_ =	strace $0x80000047;
	s30 =	ssub.s32 $0x2, s8;
	s12 =	smul.u32 $0x19000, s8  }
0xa: {  	s11 =	sor.u32 s9, s5;
	s10 =	sor.u32 s3, s10;
	s5 =	sadd.s32 $0x186E00, s6  }
0xb: {  	s31 =	sshrl.u32 s30, $0x1;
	s11 =	sshrl.u32 s11, $0x3;
	s10 =	smul.u32 $0x1900, s10  }
0xc: {  	s14 =	ssub.s32 s30, s31;
	s11 =	sadd.s32 s11, s6;
	s6 =	sadd.s32 s9, s2  }
0xd: {  	s9 =	smax.u32 s14, $0x1;
	s14 =	simm.s32 $0x4200;
	s10 =	sshrl.u32 s10, $0x3  }
0xe: {  	s8 =	sadd.s32 $0x400, s11;
	s11 =	simm.s32 $0x8200;
	s7 =	sadd.s32 s7, s10  }
0xf: {  	v0 =	vimm.f32 $0.0e+00;
	v1 =	vlaneseq.u32;
	v2 =	vimm.s32 $0x800;
	s10 =	sadd.s32 s13, s12;
	s12 =	simm.s32 $0x2;
	s13 =	simm.s32 $0x3200  }
.LBB2_1:
0x10: {  	s18 =	simm.s32 $0x100;
	s17 =	simm.s32 $0x0  }
.LBB2_2:
0x11: {  	p0 =	sne.s32 s18, $0xFF00;
	[tilespmem:s17+$0x8230] =	vst v0;
	s19 =	smov.u32 s18;
	s18 =	sadd.s32 $0x100, s18  }
.Ltmp0:
0x12: {  	[tilespmem:s17+$0x8220] =	vst v0;
	(pc) =	sbr.rel @p0 .LBB2_2-.Ltmp0, $3  }
0x13: {  	[tilespmem:s17+$0x8200] =	vst v0  }
0x14: {  	[tilespmem:s17+$0x8210] =	vst v0;
	_ =	sdelay $0x1  }
0x15: {  	s17 =	sshra.s32 s19, $0x2  }
0x16: {  	[tilespmem:s17+$0x8230] =	vst v0  }
0x17: {  	[tilespmem:s17+$0x8220] =	vst v0  }
0x18: {  	[tilespmem:s17+$0x8200] =	vst v0  }
0x19: {  	[tilespmem:s17+$0x8210] =	vst v0  }
0x1a: {  	[spmem:s6] =	stream.linear.scatter [tilespmem:s11], [sflag:$0x2], $0x4000, $0x38;
	[tilespmem:$0x10200] =	vst v63  }
0x1b: {  	_ =	swait.ge [sflag:s12], $0x4000  }
0x1c: {  	[sflag:s12] =	ssyncset.done $0x0  }
0x1d: {  	s17 =	simm.s32 $0x0;
	[sflag:s12] =	ssyncadd.s32 $0xFFFFC000  }
0x1e: {  	[tilespmem:s17], [sflag:$0x2] =	stream.linear.gather [hbm4b:s7+s17], $0x1900, $0x38;
	[tilespmem:$0x10200] =	vst v63  }
0x1f: {  	_ =	swait.ge [sflag:s12], $0x1900  }
0x20: {  	[sflag:s12] =	ssyncset.done $0x0  }
0x21: {  	[sflag:s12] =	ssyncadd.s32 $0xFFFFE700  }
0x22: {  	[tilespmem:s13], [sflag:$0x2] =	stream.linear.gather [hbm4b:s1+s17], $0x1000, $0x38;
	[tilespmem:$0x10200] =	vst v63  }
0x23: {  	_ =	swait.ge [sflag:s12], $0x1000  }
0x24: {  	[sflag:s12] =	ssyncset.done $0x0  }
0x25: {  	s18 =	simm.s32 $0x80;
	[sflag:s12] =	ssyncadd.s32 $0xFFFFF000  }
0x26: {  	s19 =	simm.s32 $0x1900;
	s20 =	simm.s32 $0x0;
	[bflag:$0x0] =	sbarrier.arrive $0xFFFF  }
0x27: {  	[tilespmem:s14], [sflag:$0x1] =	stream.indirect.gather [hbm4b:s5+s18], $0x40, s17, s18, $0xb8;
	[tilespmem:$0x10200] =	vst v63  }
.LBB2_4:
0x28: {  	p0 =	seq.s32 s17, $0x1880  }
0x29: {  	s21 =	sxor.u32 @!p0 $0xFFFFFFFF, s20  }
0x2a: {  	s21 =	sand.u32 @!p0 $0x2000, s21  }
0x2b: {  	s22 =	simm.s32 @!p0 $0x80;
	s21 =	sor.u32 @!p0 $0x4200, s21  }
0x2c: {  	[tilespmem:s21], [sflag:$0x1] =	stream.indirect.gather @!p0 [hbm4b:s5+s22], $0x40, s18, s22, $0xb8;
	[tilespmem:$0x10200] =	vst v63  }
0x2d: {  	v3 =	vld.idx.msk [tilespmem:v2+s13+$0x0], $0xffff;
	_ =	sdelay $0x2  }
0x2e: {  	s23 =	sadd.s32 s17, s10  }
0x2f: {  	v4 =	vor.u32 s23, v1  }
0x30: {  	vm0 =	vgt.s32 v3, v4  }
0x31: {  	v3 =	vsel vm0, $0x0, v2  }
0x32: {  	v5 =	vor.u32 $0x400, v3;
	_ =	sdelay $0x4  }
0x33: {  	v6 =	vld.idx.msk [tilespmem:v5+s13+$0x0], $0xffff;
	_ =	sdelay $0x4  }
0x34: {  	vm6 =	vgt.s32 v6, v4  }
0x35: {  	v3 =	vsel vm6, v3, v5  }
0x36: {  	v5 =	vor.u32 $0x200, v3;
	_ =	sdelay $0x4  }
0x37: {  	v18 =	vld.idx.msk [tilespmem:v5+s13+$0x0], $0xffff;
	_ =	sdelay $0x4  }
0x38: {  	vm7 =	vgt.s32 v18, v4  }
0x39: {  	v3 =	vsel vm7, v3, v5  }
0x3a: {  	v5 =	vor.u32 $0x100, v3;
	_ =	sdelay $0x4  }
0x3b: {  	v19 =	vld.idx.msk [tilespmem:v5+s13+$0x0], $0xffff;
	_ =	sdelay $0x4  }
0x3c: {  	vm8 =	vgt.s32 v19, v4  }
0x3d: {  	v3 =	vsel vm8, v3, v5  }
0x3e: {  	v5 =	vadd.s32 $0x80, v3  }
0x3f: {  	v20 =	vmin.u32 v5, $0xFFF;
	_ =	sdelay $0x4  }
0x40: {  	v6 =	vld.idx.msk [tilespmem:v20+s13+$0x0], $0xffff;
	_ =	sdelay $0x4  }
0x41: {  	vm0 =	vlt.u32 v3, $0xF80;
	vm1 =	vle.s32 v6, v4  }
0x42: {  	vm0 =	vmand vm1, vm0  }
0x43: {  	v3 =	vsel vm0, v5, v3  }
0x44: {  	v5 =	vadd.s32 $0x40, v3  }
0x45: {  	v21 =	vmin.u32 v5, $0xFFF;
	_ =	sdelay $0x4  }
0x46: {  	v6 =	vld.idx.msk [tilespmem:v21+s13+$0x0], $0xffff;
	_ =	sdelay $0x4  }
0x47: {  	vm0 =	vlt.u32 v3, $0xFC0;
	vm9 =	vle.s32 v6, v4  }
0x48: {  	vm0 =	vmand vm9, vm0  }
0x49: {  	v3 =	vsel vm0, v5, v3  }
0x4a: {  	v5 =	vadd.s32 $0x20, v3  }
0x4b: {  	v22 =	vmin.u32 v5, $0xFFF;
	_ =	sdelay $0x4  }
0x4c: {  	v6 =	vld.idx.msk [tilespmem:v22+s13+$0x0], $0xffff;
	_ =	sdelay $0x4  }
0x4d: {  	vm0 =	vlt.u32 v3, $0xFE0;
	vm10 =	vle.s32 v6, v4  }
0x4e: {  	vm0 =	vmand vm10, vm0  }
0x4f: {  	v3 =	vsel vm0, v5, v3  }
0x50: {  	v5 =	vadd.s32 $0x10, v3  }
0x51: {  	v23 =	vmin.u32 v5, $0xFFF;
	_ =	sdelay $0x4  }
0x52: {  	v6 =	vld.idx.msk [tilespmem:v23+s13+$0x0], $0xffff;
	_ =	sdelay $0x4  }
0x53: {  	vm0 =	vlt.u32 v3, $0xFF0;
	vm11 =	vle.s32 v6, v4  }
0x54: {  	vm0 =	vmand vm11, vm0  }
0x55: {  	v3 =	vsel vm0, v5, v3  }
0x56: {  	v5 =	vadd.s32 $0x8, v3  }
0x57: {  	v24 =	vmin.u32 v5, $0xFFF;
	_ =	sdelay $0x4  }
0x58: {  	v6 =	vld.idx.msk [tilespmem:v24+s13+$0x0], $0xffff;
	_ =	sdelay $0x4  }
0x59: {  	vm0 =	vlt.u32 v3, $0xFF8;
	vm12 =	vle.s32 v6, v4  }
0x5a: {  	vm0 =	vmand vm12, vm0  }
0x5b: {  	v3 =	vsel vm0, v5, v3  }
0x5c: {  	v5 =	vadd.s32 $0x4, v3  }
0x5d: {  	v25 =	vmin.u32 v5, $0xFFF;
	_ =	sdelay $0x4  }
0x5e: {  	v6 =	vld.idx.msk [tilespmem:v25+s13+$0x0], $0xffff;
	_ =	sdelay $0x4  }
0x5f: {  	vm0 =	vlt.u32 v3, $0xFFC;
	vm13 =	vle.s32 v6, v4  }
0x60: {  	vm0 =	vmand vm13, vm0  }
0x61: {  	v3 =	vsel vm0, v5, v3  }
0x62: {  	v5 =	vadd.s32 $0x2, v3  }
0x63: {  	v26 =	vmin.u32 v5, $0xFFF;
	_ =	sdelay $0x4  }
0x64: {  	v6 =	vld.idx.msk [tilespmem:v26+s13+$0x0], $0xffff;
	_ =	sdelay $0x4  }
0x65: {  	vm0 =	vlt.u32 v3, $0xFFE;
	vm14 =	vle.s32 v6, v4  }
0x66: {  	vm0 =	vmand vm14, vm0  }
0x67: {  	v3 =	vsel vm0, v5, v3  }
0x68: {  	v5 =	vadd.s32 $0x1, v3  }
0x69: {  	v27 =	vmin.u32 v5, $0xFFF;
	_ =	sdelay $0x4  }
0x6a: {  	v6 =	vld.idx.msk [tilespmem:v27+s13+$0x0], $0xffff;
	_ =	sdelay $0x4  }
0x6b: {  	vm0 =	vlt.u32 v3, $0xFFF;
	vm15 =	vle.s32 v6, v4  }
0x6c: {  	vm0 =	vmand vm15, vm0  }
0x6d: {  	v3 =	vsel vm0, v5, v3  }
0x6e: {  	[tilespmem:s19+$0x0] =	vst v3  }
0x6f: {  	v3 =	vld.idx.msk [tilespmem:v2+s13+$0x0], $0xffff;
	_ =	sdelay $0x2  }
0x70: {  	s24 =	sadd.s32 $0x10, s23  }
0x71: {  	v28 =	vor.u32 s24, v1  }
0x72: {  	vm4 =	vgt.s32 v3, v28  }
0x73: {  	v3 =	vsel vm4, $0x0, v2  }
0x74: {  	v29 =	vor.u32 $0x400, v3;
	_ =	sdelay $0x4  }
0x75: {  	v30 =	vld.idx.msk [tilespmem:v29+s13+$0x0], $0xffff;
	_ =	sdelay $0x4  }
0x76: {  	vm5 =	vgt.s32 v30, v28  }
0x77: {  	v3 =	vsel vm5, v3, v29  }
0x78: {  	v5 =	vor.u32 $0x200, v3;
	_ =	sdelay $0x4  }
0x79: {  	v31 =	vld.idx.msk [tilespmem:v5+s13+$0x0], $0xffff;
	_ =	sdelay $0x4  }
0x7a: {  	vm6 =	vgt.s32 v31, v28  }
0x7b: {  	v3 =	vsel vm6, v3, v5  }
0x7c: {  	v5 =	vor.u32 $0x100, v3;
	_ =	sdelay $0x4  }
0x7d: {  	v32 =	vld.idx.msk [tilespmem:v5+s13+$0x0], $0xffff;
	_ =	sdelay $0x4  }
0x7e: {  	vm7 =	vgt.s32 v32, v28  }
0x7f: {  	v3 =	vsel vm7, v3, v5  }
0x80: {  	v5 =	vadd.s32 $0x80, v3  }
0x81: {  	v33 =	vmin.u32 v5, $0xFFF;
	_ =	sdelay $0x4  }
0x82: {  	v6 =	vld.idx.msk [tilespmem:v33+s13+$0x0], $0xffff;
	_ =	sdelay $0x4  }
0x83: {  	vm0 =	vlt.u32 v3, $0xF80;
	vm8 =	vle.s32 v6, v28  }
0x84: {  	vm0 =	vmand vm8, vm0  }
0x85: {  	v3 =	vsel vm0, v5, v3  }
0x86: {  	v5 =	vadd.s32 $0x40, v3  }
0x87: {  	v34 =	vmin.u32 v5, $0xFFF;
	_ =	sdelay $0x4  }
0x88: {  	v6 =	vld.idx.msk [tilespmem:v34+s13+$0x0], $0xffff;
	_ =	sdelay $0x4  }
0x89: {  	vm0 =	vlt.u32 v3, $0xFC0;
	vm9 =	vle.s32 v6, v28  }
0x8a: {  	vm0 =	vmand vm9, vm0  }
0x8b: {  	v3 =	vsel vm0, v5, v3  }
0x8c: {  	v5 =	vadd.s32 $0x20, v3  }
0x8d: {  	v35 =	vmin.u32 v5, $0xFFF;
	_ =	sdelay $0x4  }
0x8e: {  	v6 =	vld.idx.msk [tilespmem:v35+s13+$0x0], $0xffff;
	_ =	sdelay $0x4  }
0x8f: {  	vm0 =	vlt.u32 v3, $0xFE0;
	vm10 =	vle.s32 v6, v28  }
0x90: {  	vm0 =	vmand vm10, vm0  }
0x91: {  	v3 =	vsel vm0, v5, v3  }
0x92: {  	v5 =	vadd.s32 $0x10, v3  }
0x93: {  	v36 =	vmin.u32 v5, $0xFFF;
	_ =	sdelay $0x4  }
0x94: {  	v6 =	vld.idx.msk [tilespmem:v36+s13+$0x0], $0xffff;
	_ =	sdelay $0x4  }
0x95: {  	vm0 =	vlt.u32 v3, $0xFF0;
	vm11 =	vle.s32 v6, v28  }
0x96: {  	vm0 =	vmand vm11, vm0  }
0x97: {  	v3 =	vsel vm0, v5, v3  }
0x98: {  	v5 =	vadd.s32 $0x8, v3  }
0x99: {  	v37 =	vmin.u32 v5, $0xFFF;
	_ =	sdelay $0x4  }
0x9a: {  	v6 =	vld.idx.msk [tilespmem:v37+s13+$0x0], $0xffff;
	_ =	sdelay $0x4  }
0x9b: {  	vm0 =	vlt.u32 v3, $0xFF8;
	vm12 =	vle.s32 v6, v28  }
0x9c: {  	vm0 =	vmand vm12, vm0  }
0x9d: {  	v3 =	vsel vm0, v5, v3  }
0x9e: {  	v5 =	vadd.s32 $0x4, v3  }
0x9f: {  	v38 =	vmin.u32 v5, $0xFFF;
	_ =	sdelay $0x4  }
0xa0: {  	v6 =	vld.idx.msk [tilespmem:v38+s13+$0x0], $0xffff;
	_ =	sdelay $0x4  }
0xa1: {  	vm0 =	vlt.u32 v3, $0xFFC;
	vm13 =	vle.s32 v6, v28  }
0xa2: {  	vm0 =	vmand vm13, vm0  }
0xa3: {  	v3 =	vsel vm0, v5, v3  }
0xa4: {  	v5 =	vadd.s32 $0x2, v3  }
0xa5: {  	v39 =	vmin.u32 v5, $0xFFF;
	_ =	sdelay $0x4  }
0xa6: {  	v6 =	vld.idx.msk [tilespmem:v39+s13+$0x0], $0xffff;
	_ =	sdelay $0x4  }
0xa7: {  	vm0 =	vlt.u32 v3, $0xFFE;
	vm14 =	vle.s32 v6, v28  }
0xa8: {  	vm0 =	vmand vm14, vm0  }
0xa9: {  	v3 =	vsel vm0, v5, v3  }
0xaa: {  	v5 =	vadd.s32 $0x1, v3  }
0xab: {  	v40 =	vmin.u32 v5, $0xFFF;
	_ =	sdelay $0x4  }
0xac: {  	v6 =	vld.idx.msk [tilespmem:v40+s13+$0x0], $0xffff;
	_ =	sdelay $0x4  }
0xad: {  	vm0 =	vlt.u32 v3, $0xFFF;
	vm15 =	vle.s32 v6, v28  }
0xae: {  	vm0 =	vmand vm15, vm0  }
0xaf: {  	v3 =	vsel vm0, v5, v3  }
0xb0: {  	[tilespmem:s19+$0x10] =	vst v3  }
0xb1: {  	v3 =	vld.idx.msk [tilespmem:v2+s13+$0x0], $0xffff;
	_ =	sdelay $0x2  }
0xb2: {  	s25 =	sadd.s32 $0x20, s23  }
0xb3: {  	v41 =	vor.u32 s25, v1  }
0xb4: {  	vm4 =	vgt.s32 v3, v41  }
0xb5: {  	v3 =	vsel vm4, $0x0, v2  }
0xb6: {  	v42 =	vor.u32 $0x400, v3;
	_ =	sdelay $0x4  }
0xb7: {  	v43 =	vld.idx.msk [tilespmem:v42+s13+$0x0], $0xffff;
	_ =	sdelay $0x4  }
0xb8: {  	vm5 =	vgt.s32 v43, v41  }
0xb9: {  	v3 =	vsel vm5, v3, v42  }
0xba: {  	v5 =	vor.u32 $0x200, v3;
	_ =	sdelay $0x4  }
0xbb: {  	v44 =	vld.idx.msk [tilespmem:v5+s13+$0x0], $0xffff;
	_ =	sdelay $0x4  }
0xbc: {  	vm6 =	vgt.s32 v44, v41  }
0xbd: {  	v3 =	vsel vm6, v3, v5  }
0xbe: {  	v5 =	vor.u32 $0x100, v3;
	_ =	sdelay $0x4  }
0xbf: {  	v45 =	vld.idx.msk [tilespmem:v5+s13+$0x0], $0xffff;
	_ =	sdelay $0x4  }
0xc0: {  	vm7 =	vgt.s32 v45, v41  }
0xc1: {  	v3 =	vsel vm7, v3, v5  }
0xc2: {  	v5 =	vadd.s32 $0x80, v3  }
0xc3: {  	v46 =	vmin.u32 v5, $0xFFF;
	_ =	sdelay $0x4  }
0xc4: {  	v6 =	vld.idx.msk [tilespmem:v46+s13+$0x0], $0xffff;
	_ =	sdelay $0x4  }
0xc5: {  	vm0 =	vlt.u32 v3, $0xF80;
	vm8 =	vle.s32 v6, v41  }
0xc6: {  	vm0 =	vmand vm8, vm0  }
0xc7: {  	v3 =	vsel vm0, v5, v3  }
0xc8: {  	v5 =	vadd.s32 $0x40, v3  }
0xc9: {  	v47 =	vmin.u32 v5, $0xFFF;
	_ =	sdelay $0x4  }
0xca: {  	v6 =	vld.idx.msk [tilespmem:v47+s13+$0x0], $0xffff;
	_ =	sdelay $0x4  }
0xcb: {  	vm0 =	vlt.u32 v3, $0xFC0;
	vm9 =	vle.s32 v6, v41  }
0xcc: {  	vm0 =	vmand vm9, vm0  }
0xcd: {  	v3 =	vsel vm0, v5, v3  }
0xce: {  	v5 =	vadd.s32 $0x20, v3  }
0xcf: {  	v48 =	vmin.u32 v5, $0xFFF;
	_ =	sdelay $0x4  }
0xd0: {  	v6 =	vld.idx.msk [tilespmem:v48+s13+$0x0], $0xffff;
	_ =	sdelay $0x4  }
0xd1: {  	vm0 =	vlt.u32 v3, $0xFE0;
	vm10 =	vle.s32 v6, v41  }
0xd2: {  	vm0 =	vmand vm10, vm0  }
0xd3: {  	v3 =	vsel vm0, v5, v3  }
0xd4: {  	v5 =	vadd.s32 $0x10, v3  }
0xd5: {  	v49 =	vmin.u32 v5, $0xFFF;
	_ =	sdelay $0x4  }
0xd6: {  	v6 =	vld.idx.msk [tilespmem:v49+s13+$0x0], $0xffff;
	_ =	sdelay $0x4  }
0xd7: {  	vm0 =	vlt.u32 v3, $0xFF0;
	vm11 =	vle.s32 v6, v41  }
0xd8: {  	vm0 =	vmand vm11, vm0  }
0xd9: {  	v3 =	vsel vm0, v5, v3  }
0xda: {  	v5 =	vadd.s32 $0x8, v3  }
0xdb: {  	v50 =	vmin.u32 v5, $0xFFF;
	_ =	sdelay $0x4  }
0xdc: {  	v6 =	vld.idx.msk [tilespmem:v50+s13+$0x0], $0xffff;
	_ =	sdelay $0x4  }
0xdd: {  	vm0 =	vlt.u32 v3, $0xFF8;
	vm12 =	vle.s32 v6, v41  }
0xde: {  	vm0 =	vmand vm12, vm0  }
0xdf: {  	v3 =	vsel vm0, v5, v3  }
0xe0: {  	v5 =	vadd.s32 $0x4, v3  }
0xe1: {  	v51 =	vmin.u32 v5, $0xFFF;
	_ =	sdelay $0x4  }
0xe2: {  	v6 =	vld.idx.msk [tilespmem:v51+s13+$0x0], $0xffff;
	_ =	sdelay $0x4  }
0xe3: {  	vm0 =	vlt.u32 v3, $0xFFC;
	vm13 =	vle.s32 v6, v41  }
0xe4: {  	vm0 =	vmand vm13, vm0  }
0xe5: {  	v3 =	vsel vm0, v5, v3  }
0xe6: {  	v5 =	vadd.s32 $0x2, v3  }
0xe7: {  	v52 =	vmin.u32 v5, $0xFFF;
	_ =	sdelay $0x4  }
0xe8: {  	v6 =	vld.idx.msk [tilespmem:v52+s13+$0x0], $0xffff;
	_ =	sdelay $0x4  }
0xe9: {  	vm0 =	vlt.u32 v3, $0xFFE;
	vm14 =	vle.s32 v6, v41  }
0xea: {  	vm0 =	vmand vm14, vm0  }
0xeb: {  	v3 =	vsel vm0, v5, v3  }
0xec: {  	v5 =	vadd.s32 $0x1, v3  }
0xed: {  	v53 =	vmin.u32 v5, $0xFFF;
	_ =	sdelay $0x4  }
0xee: {  	v6 =	vld.idx.msk [tilespmem:v53+s13+$0x0], $0xffff;
	_ =	sdelay $0x4  }
0xef: {  	vm0 =	vlt.u32 v3, $0xFFF;
	vm15 =	vle.s32 v6, v41  }
0xf0: {  	vm0 =	vmand vm15, vm0  }
0xf1: {  	v3 =	vsel vm0, v5, v3  }
0xf2: {  	[tilespmem:s19+$0x20] =	vst v3  }
0xf3: {  	v3 =	vld.idx.msk [tilespmem:v2+s13+$0x0], $0xffff;
	_ =	sdelay $0x2  }
0xf4: {  	s26 =	sadd.s32 $0x30, s23  }
0xf5: {  	v54 =	vor.u32 s26, v1  }
0xf6: {  	vm4 =	vgt.s32 v3, v54  }
0xf7: {  	v3 =	vsel vm4, $0x0, v2  }
0xf8: {  	v55 =	vor.u32 $0x400, v3;
	_ =	sdelay $0x4  }
0xf9: {  	v56 =	vld.idx.msk [tilespmem:v55+s13+$0x0], $0xffff;
	_ =	sdelay $0x4  }
0xfa: {  	vm5 =	vgt.s32 v56, v54  }
0xfb: {  	v3 =	vsel vm5, v3, v55  }
0xfc: {  	v5 =	vor.u32 $0x200, v3;
	_ =	sdelay $0x4  }
0xfd: {  	v57 =	vld.idx.msk [tilespmem:v5+s13+$0x0], $0xffff;
	_ =	sdelay $0x4  }
0xfe: {  	vm6 =	vgt.s32 v57, v54  }
0xff: {  	v3 =	vsel vm6, v3, v5  }
0x100: {  	v5 =	vor.u32 $0x100, v3;
	_ =	sdelay $0x4  }
0x101: {  	v58 =	vld.idx.msk [tilespmem:v5+s13+$0x0], $0xffff;
	_ =	sdelay $0x4  }
0x102: {  	vm7 =	vgt.s32 v58, v54  }
0x103: {  	v3 =	vsel vm7, v3, v5  }
0x104: {  	v5 =	vadd.s32 $0x80, v3  }
0x105: {  	v59 =	vmin.u32 v5, $0xFFF;
	_ =	sdelay $0x4  }
0x106: {  	v6 =	vld.idx.msk [tilespmem:v59+s13+$0x0], $0xffff;
	_ =	sdelay $0x4  }
0x107: {  	vm0 =	vlt.u32 v3, $0xF80;
	vm8 =	vle.s32 v6, v54  }
0x108: {  	vm0 =	vmand vm8, vm0  }
0x109: {  	v3 =	vsel vm0, v5, v3  }
0x10a: {  	v5 =	vadd.s32 $0x40, v3  }
0x10b: {  	v60 =	vmin.u32 v5, $0xFFF;
	_ =	sdelay $0x4  }
0x10c: {  	v6 =	vld.idx.msk [tilespmem:v60+s13+$0x0], $0xffff;
	_ =	sdelay $0x4  }
0x10d: {  	vm0 =	vlt.u32 v3, $0xFC0;
	vm9 =	vle.s32 v6, v54  }
0x10e: {  	vm0 =	vmand vm9, vm0  }
0x10f: {  	v3 =	vsel vm0, v5, v3  }
0x110: {  	v5 =	vadd.s32 $0x20, v3  }
0x111: {  	v61 =	vmin.u32 v5, $0xFFF;
	_ =	sdelay $0x4  }
0x112: {  	v6 =	vld.idx.msk [tilespmem:v61+s13+$0x0], $0xffff;
	_ =	sdelay $0x4  }
0x113: {  	vm0 =	vlt.u32 v3, $0xFE0;
	vm10 =	vle.s32 v6, v54  }
0x114: {  	vm0 =	vmand vm10, vm0  }
0x115: {  	v3 =	vsel vm0, v5, v3  }
0x116: {  	v5 =	vadd.s32 $0x10, v3  }
0x117: {  	v62 =	vmin.u32 v5, $0xFFF;
	_ =	sdelay $0x4  }
0x118: {  	v6 =	vld.idx.msk [tilespmem:v62+s13+$0x0], $0xffff;
	_ =	sdelay $0x4  }
0x119: {  	vm0 =	vlt.u32 v3, $0xFF0;
	vm11 =	vle.s32 v6, v54  }
0x11a: {  	vm0 =	vmand vm11, vm0  }
0x11b: {  	v3 =	vsel vm0, v5, v3  }
0x11c: {  	v5 =	vadd.s32 $0x8, v3  }
0x11d: {  	v63 =	vmin.u32 v5, $0xFFF;
	_ =	sdelay $0x4  }
0x11e: {  	v6 =	vld.idx.msk [tilespmem:v63+s13+$0x0], $0xffff;
	_ =	sdelay $0x4  }
0x11f: {  	vm0 =	vlt.u32 v3, $0xFF8;
	vm12 =	vle.s32 v6, v54  }
0x120: {  	vm0 =	vmand vm12, vm0  }
0x121: {  	v3 =	vsel vm0, v5, v3  }
0x122: {  	v5 =	vadd.s32 $0x4, v3  }
0x123: {  	v9 =	vmin.u32 v5, $0xFFF;
	_ =	sdelay $0x4  }
0x124: {  	v6 =	vld.idx.msk [tilespmem:v9+s13+$0x0], $0xffff;
	_ =	sdelay $0x4  }
0x125: {  	vm0 =	vlt.u32 v3, $0xFFC;
	vm13 =	vle.s32 v6, v54  }
0x126: {  	vm0 =	vmand vm13, vm0  }
0x127: {  	v3 =	vsel vm0, v5, v3  }
0x128: {  	v5 =	vadd.s32 $0x2, v3  }
0x129: {  	v10 =	vmin.u32 v5, $0xFFF;
	_ =	sdelay $0x4  }
0x12a: {  	v6 =	vld.idx.msk [tilespmem:v10+s13+$0x0], $0xffff;
	_ =	sdelay $0x4  }
0x12b: {  	vm0 =	vlt.u32 v3, $0xFFE;
	vm14 =	vle.s32 v6, v54  }
0x12c: {  	vm0 =	vmand vm14, vm0  }
0x12d: {  	v3 =	vsel vm0, v5, v3  }
0x12e: {  	v5 =	vadd.s32 $0x1, v3  }
0x12f: {  	v11 =	vmin.u32 v5, $0xFFF;
	_ =	sdelay $0x4  }
0x130: {  	v6 =	vld.idx.msk [tilespmem:v11+s13+$0x0], $0xffff;
	_ =	sdelay $0x4  }
0x131: {  	vm0 =	vlt.u32 v3, $0xFFF;
	vm15 =	vle.s32 v6, v54  }
0x132: {  	vm0 =	vmand vm15, vm0  }
0x133: {  	v3 =	vsel vm0, v5, v3  }
0x134: {  	[tilespmem:s19+$0x30] =	vst v3  }
0x135: {  	v3 =	vld.idx.msk [tilespmem:v2+s13+$0x0], $0xffff;
	_ =	sdelay $0x2  }
0x136: {  	s28 =	sadd.s32 $0x40, s23  }
0x137: {  	v12 =	vor.u32 s28, v1  }
0x138: {  	vm4 =	vgt.s32 v3, v12  }
0x139: {  	v3 =	vsel vm4, $0x0, v2  }
0x13a: {  	v13 =	vor.u32 $0x400, v3;
	_ =	sdelay $0x4  }
0x13b: {  	v14 =	vld.idx.msk [tilespmem:v13+s13+$0x0], $0xffff;
	_ =	sdelay $0x4  }
0x13c: {  	vm5 =	vgt.s32 v14, v12  }
0x13d: {  	v3 =	vsel vm5, v3, v13  }
0x13e: {  	v5 =	vor.u32 $0x200, v3;
	_ =	sdelay $0x4  }
0x13f: {  	v15 =	vld.idx.msk [tilespmem:v5+s13+$0x0], $0xffff;
	_ =	sdelay $0x4  }
0x140: {  	vm6 =	vgt.s32 v15, v12  }
0x141: {  	v3 =	vsel vm6, v3, v5  }
0x142: {  	v5 =	vor.u32 $0x100, v3;
	_ =	sdelay $0x4  }
0x143: {  	v16 =	vld.idx.msk [tilespmem:v5+s13+$0x0], $0xffff;
	_ =	sdelay $0x4  }
0x144: {  	vm7 =	vgt.s32 v16, v12  }
0x145: {  	v3 =	vsel vm7, v3, v5  }
0x146: {  	v5 =	vadd.s32 $0x80, v3  }
0x147: {  	v17 =	vmin.u32 v5, $0xFFF;
	_ =	sdelay $0x4  }
0x148: {  	v6 =	vld.idx.msk [tilespmem:v17+s13+$0x0], $0xffff;
	_ =	sdelay $0x4  }
0x149: {  	vm0 =	vlt.u32 v3, $0xF80;
	vm8 =	vle.s32 v6, v12  }
0x14a: {  	vm0 =	vmand vm8, vm0  }
0x14b: {  	v3 =	vsel vm0, v5, v3  }
0x14c: {  	v5 =	vadd.s32 $0x40, v3  }
0x14d: {  	v18 =	vmin.u32 v5, $0xFFF;
	_ =	sdelay $0x4  }
0x14e: {  	v6 =	vld.idx.msk [tilespmem:v18+s13+$0x0], $0xffff;
	_ =	sdelay $0x4  }
0x14f: {  	vm0 =	vlt.u32 v3, $0xFC0;
	vm9 =	vle.s32 v6, v12  }
0x150: {  	vm0 =	vmand vm9, vm0  }
0x151: {  	v3 =	vsel vm0, v5, v3  }
0x152: {  	v5 =	vadd.s32 $0x20, v3  }
0x153: {  	v19 =	vmin.u32 v5, $0xFFF;
	_ =	sdelay $0x4  }
0x154: {  	v6 =	vld.idx.msk [tilespmem:v19+s13+$0x0], $0xffff;
	_ =	sdelay $0x4  }
0x155: {  	vm0 =	vlt.u32 v3, $0xFE0;
	vm10 =	vle.s32 v6, v12  }
0x156: {  	vm0 =	vmand vm10, vm0  }
0x157: {  	v3 =	vsel vm0, v5, v3  }
0x158: {  	v5 =	vadd.s32 $0x10, v3  }
0x159: {  	v20 =	vmin.u32 v5, $0xFFF;
	_ =	sdelay $0x4  }
0x15a: {  	v6 =	vld.idx.msk [tilespmem:v20+s13+$0x0], $0xffff;
	_ =	sdelay $0x4  }
0x15b: {  	vm0 =	vlt.u32 v3, $0xFF0;
	vm11 =	vle.s32 v6, v12  }
0x15c: {  	vm0 =	vmand vm11, vm0  }
0x15d: {  	v3 =	vsel vm0, v5, v3  }
0x15e: {  	v5 =	vadd.s32 $0x8, v3  }
0x15f: {  	v21 =	vmin.u32 v5, $0xFFF;
	_ =	sdelay $0x4  }
0x160: {  	v6 =	vld.idx.msk [tilespmem:v21+s13+$0x0], $0xffff;
	_ =	sdelay $0x4  }
0x161: {  	vm0 =	vlt.u32 v3, $0xFF8;
	vm12 =	vle.s32 v6, v12  }
0x162: {  	vm0 =	vmand vm12, vm0  }
0x163: {  	v3 =	vsel vm0, v5, v3  }
0x164: {  	v5 =	vadd.s32 $0x4, v3  }
0x165: {  	v22 =	vmin.u32 v5, $0xFFF;
	_ =	sdelay $0x4  }
0x166: {  	v6 =	vld.idx.msk [tilespmem:v22+s13+$0x0], $0xffff;
	_ =	sdelay $0x4  }
0x167: {  	vm0 =	vlt.u32 v3, $0xFFC;
	vm13 =	vle.s32 v6, v12  }
0x168: {  	vm0 =	vmand vm13, vm0  }
0x169: {  	v3 =	vsel vm0, v5, v3  }
0x16a: {  	v5 =	vadd.s32 $0x2, v3  }
0x16b: {  	v23 =	vmin.u32 v5, $0xFFF;
	_ =	sdelay $0x4  }
0x16c: {  	v6 =	vld.idx.msk [tilespmem:v23+s13+$0x0], $0xffff;
	_ =	sdelay $0x4  }
0x16d: {  	vm0 =	vlt.u32 v3, $0xFFE;
	vm14 =	vle.s32 v6, v12  }
0x16e: {  	vm0 =	vmand vm14, vm0  }
0x16f: {  	v3 =	vsel vm0, v5, v3  }
0x170: {  	v5 =	vadd.s32 $0x1, v3  }
0x171: {  	v24 =	vmin.u32 v5, $0xFFF;
	_ =	sdelay $0x4  }
0x172: {  	v6 =	vld.idx.msk [tilespmem:v24+s13+$0x0], $0xffff;
	_ =	sdelay $0x4  }
0x173: {  	vm0 =	vlt.u32 v3, $0xFFF;
	vm15 =	vle.s32 v6, v12  }
0x174: {  	vm0 =	vmand vm15, vm0  }
0x175: {  	v3 =	vsel vm0, v5, v3  }
0x176: {  	[tilespmem:s19+$0x40] =	vst v3  }
0x177: {  	v3 =	vld.idx.msk [tilespmem:v2+s13+$0x0], $0xffff;
	_ =	sdelay $0x2  }
0x178: {  	s29 =	sadd.s32 $0x50, s23  }
0x179: {  	v25 =	vor.u32 s29, v1  }
0x17a: {  	vm4 =	vgt.s32 v3, v25  }
0x17b: {  	v3 =	vsel vm4, $0x0, v2  }
0x17c: {  	v26 =	vor.u32 $0x400, v3;
	_ =	sdelay $0x4  }
0x17d: {  	v27 =	vld.idx.msk [tilespmem:v26+s13+$0x0], $0xffff;
	_ =	sdelay $0x4  }
0x17e: {  	vm5 =	vgt.s32 v27, v25  }
0x17f: {  	v3 =	vsel vm5, v3, v26  }
0x180: {  	v5 =	vor.u32 $0x200, v3;
	_ =	sdelay $0x4  }
0x181: {  	v28 =	vld.idx.msk [tilespmem:v5+s13+$0x0], $0xffff;
	_ =	sdelay $0x4  }
0x182: {  	vm6 =	vgt.s32 v28, v25  }
0x183: {  	v3 =	vsel vm6, v3, v5  }
0x184: {  	v5 =	vor.u32 $0x100, v3;
	_ =	sdelay $0x4  }
0x185: {  	v29 =	vld.idx.msk [tilespmem:v5+s13+$0x0], $0xffff;
	_ =	sdelay $0x4  }
0x186: {  	vm7 =	vgt.s32 v29, v25  }
0x187: {  	v3 =	vsel vm7, v3, v5  }
0x188: {  	v5 =	vadd.s32 $0x80, v3  }
0x189: {  	v30 =	vmin.u32 v5, $0xFFF;
	_ =	sdelay $0x4  }
0x18a: {  	v6 =	vld.idx.msk [tilespmem:v30+s13+$0x0], $0xffff;
	_ =	sdelay $0x4  }
0x18b: {  	vm0 =	vlt.u32 v3, $0xF80;
	vm8 =	vle.s32 v6, v25  }
0x18c: {  	vm0 =	vmand vm8, vm0  }
0x18d: {  	v3 =	vsel vm0, v5, v3  }
0x18e: {  	v5 =	vadd.s32 $0x40, v3  }
0x18f: {  	v31 =	vmin.u32 v5, $0xFFF;
	_ =	sdelay $0x4  }
0x190: {  	v6 =	vld.idx.msk [tilespmem:v31+s13+$0x0], $0xffff;
	_ =	sdelay $0x4  }
0x191: {  	vm0 =	vlt.u32 v3, $0xFC0;
	vm9 =	vle.s32 v6, v25  }
0x192: {  	vm0 =	vmand vm9, vm0  }
0x193: {  	v3 =	vsel vm0, v5, v3  }
0x194: {  	v5 =	vadd.s32 $0x20, v3  }
0x195: {  	v32 =	vmin.u32 v5, $0xFFF;
	_ =	sdelay $0x4  }
0x196: {  	v6 =	vld.idx.msk [tilespmem:v32+s13+$0x0], $0xffff;
	_ =	sdelay $0x4  }
0x197: {  	vm0 =	vlt.u32 v3, $0xFE0;
	vm10 =	vle.s32 v6, v25  }
0x198: {  	vm0 =	vmand vm10, vm0  }
0x199: {  	v3 =	vsel vm0, v5, v3  }
0x19a: {  	v5 =	vadd.s32 $0x10, v3  }
0x19b: {  	v33 =	vmin.u32 v5, $0xFFF;
	_ =	sdelay $0x4  }
0x19c: {  	v6 =	vld.idx.msk [tilespmem:v33+s13+$0x0], $0xffff;
	_ =	sdelay $0x4  }
0x19d: {  	vm0 =	vlt.u32 v3, $0xFF0;
	vm11 =	vle.s32 v6, v25  }
0x19e: {  	vm0 =	vmand vm11, vm0  }
0x19f: {  	v3 =	vsel vm0, v5, v3  }
0x1a0: {  	v5 =	vadd.s32 $0x8, v3  }
0x1a1: {  	v34 =	vmin.u32 v5, $0xFFF;
	_ =	sdelay $0x4  }
0x1a2: {  	v6 =	vld.idx.msk [tilespmem:v34+s13+$0x0], $0xffff;
	_ =	sdelay $0x4  }
0x1a3: {  	vm0 =	vlt.u32 v3, $0xFF8;
	vm12 =	vle.s32 v6, v25  }
0x1a4: {  	vm0 =	vmand vm12, vm0  }
0x1a5: {  	v3 =	vsel vm0, v5, v3  }
0x1a6: {  	v5 =	vadd.s32 $0x4, v3  }
0x1a7: {  	v35 =	vmin.u32 v5, $0xFFF;
	_ =	sdelay $0x4  }
0x1a8: {  	v6 =	vld.idx.msk [tilespmem:v35+s13+$0x0], $0xffff;
	_ =	sdelay $0x4  }
0x1a9: {  	vm0 =	vlt.u32 v3, $0xFFC;
	vm13 =	vle.s32 v6, v25  }
0x1aa: {  	vm0 =	vmand vm13, vm0  }
0x1ab: {  	v3 =	vsel vm0, v5, v3  }
0x1ac: {  	v5 =	vadd.s32 $0x2, v3  }
0x1ad: {  	v36 =	vmin.u32 v5, $0xFFF;
	_ =	sdelay $0x4  }
0x1ae: {  	v6 =	vld.idx.msk [tilespmem:v36+s13+$0x0], $0xffff;
	_ =	sdelay $0x4  }
0x1af: {  	vm0 =	vlt.u32 v3, $0xFFE;
	vm14 =	vle.s32 v6, v25  }
0x1b0: {  	vm0 =	vmand vm14, vm0  }
0x1b1: {  	v3 =	vsel vm0, v5, v3  }
0x1b2: {  	v5 =	vadd.s32 $0x1, v3  }
0x1b3: {  	v37 =	vmin.u32 v5, $0xFFF;
	_ =	sdelay $0x4  }
0x1b4: {  	v6 =	vld.idx.msk [tilespmem:v37+s13+$0x0], $0xffff;
	_ =	sdelay $0x4  }
0x1b5: {  	vm0 =	vlt.u32 v3, $0xFFF;
	vm15 =	vle.s32 v6, v25  }
0x1b6: {  	vm0 =	vmand vm15, vm0  }
0x1b7: {  	v3 =	vsel vm0, v5, v3  }
0x1b8: {  	[tilespmem:s19+$0x50] =	vst v3  }
0x1b9: {  	v3 =	vld.idx.msk [tilespmem:v2+s13+$0x0], $0xffff;
	_ =	sdelay $0x2  }
0x1ba: {  	s30 =	sadd.s32 $0x60, s23  }
0x1bb: {  	v38 =	vor.u32 s30, v1  }
0x1bc: {  	vm4 =	vgt.s32 v3, v38  }
0x1bd: {  	v3 =	vsel vm4, $0x0, v2  }
0x1be: {  	v39 =	vor.u32 $0x400, v3;
	_ =	sdelay $0x4  }
0x1bf: {  	v40 =	vld.idx.msk [tilespmem:v39+s13+$0x0], $0xffff;
	_ =	sdelay $0x4  }
0x1c0: {  	vm5 =	vgt.s32 v40, v38  }
0x1c1: {  	v3 =	vsel vm5, v3, v39  }
0x1c2: {  	v5 =	vor.u32 $0x200, v3;
	_ =	sdelay $0x4  }
0x1c3: {  	v41 =	vld.idx.msk [tilespmem:v5+s13+$0x0], $0xffff;
	_ =	sdelay $0x4  }
0x1c4: {  	vm6 =	vgt.s32 v41, v38  }
0x1c5: {  	v3 =	vsel vm6, v3, v5  }
0x1c6: {  	v5 =	vor.u32 $0x100, v3;
	_ =	sdelay $0x4  }
0x1c7: {  	v42 =	vld.idx.msk [tilespmem:v5+s13+$0x0], $0xffff;
	_ =	sdelay $0x4  }
0x1c8: {  	vm7 =	vgt.s32 v42, v38  }
0x1c9: {  	v3 =	vsel vm7, v3, v5  }
0x1ca: {  	v5 =	vadd.s32 $0x80, v3  }
0x1cb: {  	v43 =	vmin.u32 v5, $0xFFF;
	_ =	sdelay $0x4  }
0x1cc: {  	v6 =	vld.idx.msk [tilespmem:v43+s13+$0x0], $0xffff;
	_ =	sdelay $0x4  }
0x1cd: {  	vm0 =	vlt.u32 v3, $0xF80;
	vm8 =	vle.s32 v6, v38  }
0x1ce: {  	vm0 =	vmand vm8, vm0  }
0x1cf: {  	v3 =	vsel vm0, v5, v3  }
0x1d0: {  	v5 =	vadd.s32 $0x40, v3  }
0x1d1: {  	v44 =	vmin.u32 v5, $0xFFF;
	_ =	sdelay $0x4  }
0x1d2: {  	v6 =	vld.idx.msk [tilespmem:v44+s13+$0x0], $0xffff;
	_ =	sdelay $0x4  }
0x1d3: {  	vm0 =	vlt.u32 v3, $0xFC0;
	vm9 =	vle.s32 v6, v38  }
0x1d4: {  	vm0 =	vmand vm9, vm0  }
0x1d5: {  	v3 =	vsel vm0, v5, v3  }
0x1d6: {  	v5 =	vadd.s32 $0x20, v3  }
0x1d7: {  	v45 =	vmin.u32 v5, $0xFFF;
	_ =	sdelay $0x4  }
0x1d8: {  	v6 =	vld.idx.msk [tilespmem:v45+s13+$0x0], $0xffff;
	_ =	sdelay $0x4  }
0x1d9: {  	vm0 =	vlt.u32 v3, $0xFE0;
	vm10 =	vle.s32 v6, v38  }
0x1da: {  	vm0 =	vmand vm10, vm0  }
0x1db: {  	v3 =	vsel vm0, v5, v3  }
0x1dc: {  	v5 =	vadd.s32 $0x10, v3  }
0x1dd: {  	v46 =	vmin.u32 v5, $0xFFF;
	_ =	sdelay $0x4  }
0x1de: {  	v6 =	vld.idx.msk [tilespmem:v46+s13+$0x0], $0xffff;
	_ =	sdelay $0x4  }
0x1df: {  	vm0 =	vlt.u32 v3, $0xFF0;
	vm11 =	vle.s32 v6, v38  }
0x1e0: {  	vm0 =	vmand vm11, vm0  }
0x1e1: {  	v3 =	vsel vm0, v5, v3  }
0x1e2: {  	v5 =	vadd.s32 $0x8, v3  }
0x1e3: {  	v47 =	vmin.u32 v5, $0xFFF;
	_ =	sdelay $0x4  }
0x1e4: {  	v6 =	vld.idx.msk [tilespmem:v47+s13+$0x0], $0xffff;
	_ =	sdelay $0x4  }
0x1e5: {  	vm0 =	vlt.u32 v3, $0xFF8;
	vm12 =	vle.s32 v6, v38  }
0x1e6: {  	vm0 =	vmand vm12, vm0  }
0x1e7: {  	v3 =	vsel vm0, v5, v3  }
0x1e8: {  	v5 =	vadd.s32 $0x4, v3  }
0x1e9: {  	v48 =	vmin.u32 v5, $0xFFF;
	_ =	sdelay $0x4  }
0x1ea: {  	v6 =	vld.idx.msk [tilespmem:v48+s13+$0x0], $0xffff;
	_ =	sdelay $0x4  }
0x1eb: {  	vm0 =	vlt.u32 v3, $0xFFC;
	vm13 =	vle.s32 v6, v38  }
0x1ec: {  	vm0 =	vmand vm13, vm0  }
0x1ed: {  	v3 =	vsel vm0, v5, v3  }
0x1ee: {  	v5 =	vadd.s32 $0x2, v3  }
0x1ef: {  	v49 =	vmin.u32 v5, $0xFFF;
	_ =	sdelay $0x4  }
0x1f0: {  	v6 =	vld.idx.msk [tilespmem:v49+s13+$0x0], $0xffff;
	_ =	sdelay $0x4  }
0x1f1: {  	vm0 =	vlt.u32 v3, $0xFFE;
	vm14 =	vle.s32 v6, v38  }
0x1f2: {  	vm0 =	vmand vm14, vm0  }
0x1f3: {  	v3 =	vsel vm0, v5, v3  }
0x1f4: {  	v5 =	vadd.s32 $0x1, v3  }
0x1f5: {  	v50 =	vmin.u32 v5, $0xFFF;
	_ =	sdelay $0x4  }
0x1f6: {  	v6 =	vld.idx.msk [tilespmem:v50+s13+$0x0], $0xffff;
	_ =	sdelay $0x4  }
0x1f7: {  	vm0 =	vlt.u32 v3, $0xFFF;
	vm15 =	vle.s32 v6, v38  }
0x1f8: {  	vm0 =	vmand vm15, vm0  }
0x1f9: {  	v3 =	vsel vm0, v5, v3  }
0x1fa: {  	[tilespmem:s19+$0x60] =	vst v3  }
0x1fb: {  	v3 =	vld.idx.msk [tilespmem:v2+s13+$0x0], $0xffff;
	_ =	sdelay $0x2  }
0x1fc: {  	s21 =	sadd.s32 $0x70, s23  }
0x1fd: {  	v51 =	vor.u32 s21, v1  }
0x1fe: {  	vm4 =	vgt.s32 v3, v51  }
0x1ff: {  	v3 =	vsel vm4, $0x0, v2  }
0x200: {  	v52 =	vor.u32 $0x400, v3;
	_ =	sdelay $0x4  }
0x201: {  	v53 =	vld.idx.msk [tilespmem:v52+s13+$0x0], $0xffff;
	_ =	sdelay $0x4  }
0x202: {  	vm5 =	vgt.s32 v53, v51  }
0x203: {  	v3 =	vsel vm5, v3, v52  }
0x204: {  	v5 =	vor.u32 $0x200, v3;
	_ =	sdelay $0x4  }
0x205: {  	v54 =	vld.idx.msk [tilespmem:v5+s13+$0x0], $0xffff;
	_ =	sdelay $0x4  }
0x206: {  	vm6 =	vgt.s32 v54, v51  }
0x207: {  	v3 =	vsel vm6, v3, v5  }
0x208: {  	v5 =	vor.u32 $0x100, v3;
	_ =	sdelay $0x4  }
0x209: {  	v55 =	vld.idx.msk [tilespmem:v5+s13+$0x0], $0xffff;
	_ =	sdelay $0x4  }
0x20a: {  	vm7 =	vgt.s32 v55, v51  }
0x20b: {  	v3 =	vsel vm7, v3, v5  }
0x20c: {  	v5 =	vadd.s32 $0x80, v3  }
0x20d: {  	v56 =	vmin.u32 v5, $0xFFF;
	_ =	sdelay $0x4  }
0x20e: {  	v6 =	vld.idx.msk [tilespmem:v56+s13+$0x0], $0xffff;
	_ =	sdelay $0x4  }
0x20f: {  	vm0 =	vlt.u32 v3, $0xF80;
	vm8 =	vle.s32 v6, v51  }
0x210: {  	vm0 =	vmand vm8, vm0  }
0x211: {  	v3 =	vsel vm0, v5, v3  }
0x212: {  	v5 =	vadd.s32 $0x40, v3  }
0x213: {  	v57 =	vmin.u32 v5, $0xFFF;
	_ =	sdelay $0x4  }
0x214: {  	v6 =	vld.idx.msk [tilespmem:v57+s13+$0x0], $0xffff;
	_ =	sdelay $0x4  }
0x215: {  	vm0 =	vlt.u32 v3, $0xFC0;
	vm9 =	vle.s32 v6, v51  }
0x216: {  	vm0 =	vmand vm9, vm0  }
0x217: {  	v3 =	vsel vm0, v5, v3  }
0x218: {  	v5 =	vadd.s32 $0x20, v3  }
0x219: {  	v58 =	vmin.u32 v5, $0xFFF;
	_ =	sdelay $0x4  }
0x21a: {  	v6 =	vld.idx.msk [tilespmem:v58+s13+$0x0], $0xffff;
	_ =	sdelay $0x4  }
0x21b: {  	vm0 =	vlt.u32 v3, $0xFE0;
	vm10 =	vle.s32 v6, v51  }
0x21c: {  	vm0 =	vmand vm10, vm0  }
0x21d: {  	v3 =	vsel vm0, v5, v3  }
0x21e: {  	v5 =	vadd.s32 $0x10, v3  }
0x21f: {  	v59 =	vmin.u32 v5, $0xFFF;
	_ =	sdelay $0x4  }
0x220: {  	v6 =	vld.idx.msk [tilespmem:v59+s13+$0x0], $0xffff;
	_ =	sdelay $0x4  }
0x221: {  	vm0 =	vlt.u32 v3, $0xFF0;
	vm11 =	vle.s32 v6, v51  }
0x222: {  	vm0 =	vmand vm11, vm0  }
0x223: {  	v3 =	vsel vm0, v5, v3  }
0x224: {  	v5 =	vadd.s32 $0x8, v3  }
0x225: {  	v60 =	vmin.u32 v5, $0xFFF;
	_ =	sdelay $0x4  }
0x226: {  	v6 =	vld.idx.msk [tilespmem:v60+s13+$0x0], $0xffff;
	_ =	sdelay $0x4  }
0x227: {  	vm0 =	vlt.u32 v3, $0xFF8;
	vm12 =	vle.s32 v6, v51  }
0x228: {  	vm0 =	vmand vm12, vm0  }
0x229: {  	v3 =	vsel vm0, v5, v3  }
0x22a: {  	v5 =	vadd.s32 $0x4, v3  }
0x22b: {  	v61 =	vmin.u32 v5, $0xFFF;
	_ =	sdelay $0x4  }
0x22c: {  	v6 =	vld.idx.msk [tilespmem:v61+s13+$0x0], $0xffff;
	_ =	sdelay $0x4  }
0x22d: {  	vm0 =	vlt.u32 v3, $0xFFC;
	vm13 =	vle.s32 v6, v51  }
0x22e: {  	vm0 =	vmand vm13, vm0  }
0x22f: {  	v3 =	vsel vm0, v5, v3  }
0x230: {  	v5 =	vadd.s32 $0x2, v3  }
0x231: {  	v62 =	vmin.u32 v5, $0xFFF;
	_ =	sdelay $0x4  }
0x232: {  	v6 =	vld.idx.msk [tilespmem:v62+s13+$0x0], $0xffff;
	_ =	sdelay $0x4  }
0x233: {  	vm0 =	vlt.u32 v3, $0xFFE;
	vm14 =	vle.s32 v6, v51  }
0x234: {  	vm0 =	vmand vm14, vm0  }
0x235: {  	v3 =	vsel vm0, v5, v3  }
0x236: {  	v5 =	vadd.s32 $0x1, v3  }
0x237: {  	v63 =	vmin.u32 v5, $0xFFF;
	_ =	sdelay $0x4  }
0x238: {  	v6 =	vld.idx.msk [tilespmem:v63+s13+$0x0], $0xffff;
	_ =	sdelay $0x4  }
0x239: {  	vm0 =	vlt.u32 v3, $0xFFF;
	vm15 =	vle.s32 v6, v51  }
0x23a: {  	vm0 =	vmand vm15, vm0  }
0x23b: {  	v3 =	vsel vm0, v5, v3  }
0x23c: {  	[tilespmem:s19+$0x70] =	vst v3  }
0x23d: {  	s17 =	sadd.s32 $0x80, s17;
	_ =	swait.ge [sflag:s15], $0x2000  }
0x23e: {  	s31 =	sand.u32 $0x2000, s20;
	p0 =	sne.s32 s17, $0x1900;
	[sflag:s15] =	ssyncset.done $0x0  }
.Ltmp1:
0x23f: {  	s21 =	sor.u32 $0x4200, s31;
	[sflag:s15] =	ssyncadd.s32 $0xFFFFE000;
	(pc) =	sbr.rel @p0 .LBB2_4-.Ltmp1, $4  }
0x240: {  	[spmem:s2] =	stream.indirect.scatter.add.f32 [tilespmem:s21], [sflag:$0x2], $0x40, s19, s16, $0xb8;
	[tilespmem:$0x10200] =	vst v63  }
0x241: {  	_ =	swait.ge [sflag:s12], $0x2000  }
0x242: {  	s20 =	sadd.s32 $0x2000, s20;
	[sflag:s12] =	ssyncset.done $0x0  }
0x243: {  	s18 =	sadd.s32 $0x80, s18;
	s19 =	sadd.s32 $0x80, s19;
	[sflag:s12] =	ssyncadd.s32 $0xFFFFE000  }
0x244: {  	s4 =	sadd.s32 $0x1, s4  }
0x245: {  	s17 =	sshll.u32 s3, $0x6;
	[bflag:$0x0] =	sbarrier.arrive $0xFFFF;
	p0 =	sne.s32 s4, s9  }
.Ltmp2:
0x246: {  	s18 =	sshrl.u32 s6, $0x3;
	s17 =	sor.u32 $0x1C02, s17;
	(pc) =	sbr.rel @p0 .LBB2_1-.Ltmp2, $4  }
0x247: {  	[hbm:s8], [sflag:s17] =	dma.local [spmem:s18], $0x800  }
0x248: {  	_ =	swait.ge [sflag:s12], $0x800  }
0x249: {  	[sflag:s12] =	ssyncset.done $0x0  }
0x24a: {  	[sflag:s12] =	ssyncadd.s32 $0xFFFFF800  }
0x24b: {  	_ =	sfence.sel $0x180000  }
0x24c: {  	[bflag:$0x0] =	sbarrier.arrive $0xFFFF  }
0x24d: {  	p0 =	sne.s32 s3, $0x0;
	_ =	strace $0x90000047  }
0x24e: {  	s0 =	sadd.s32 @!p0 $0x100000, s0;
	[bflag:$0x2] =	sbarrier.arrive $0xFFFF  }
0x24f: {  	[sflag:s0] =	ssyncadd.tile.s32 @!p0 $0x1;
	_ =	shalt  }
.Lfunc_end2:
_tile_overlayer_lowered:
.L_overlay_start_2:
0x250: {  	(tag) =	ssettag $0x2  }
0x251: {  	s0 =	rddreg [dreg:$0x0];
	s2 =	stileid.u32  }
0x252: {  	s1 =	rddreg [dreg:$0x1];
	p0 =	sne.s32 s2, $0x0  }
0x253: {  	s3 =	rddreg [dreg:$0x2];
	[bflag:$0x3] =	sbarrier.arrive $0xFFFF;
	s2 =	simm.s32 @!p0 $0x1C02  }
0x254: {  	[timem:s3], [sflag:s2] =	dma.local @!p0 [hbm:s0], s1  }
0x255: {  	s0 =	simm.s32 @!p0 $0x2  }
0x256: {  	_ =	swait.ge @!p0 [sflag:s0], s1  }
0x257: {  	s1 =	ssub.s32 @!p0 $0x0, s1;
	[sflag:s0] =	ssyncset.done @!p0 $0x0  }
0x258: {  	[sflag:s0] =	ssyncadd.s32 @!p0 s1  }
0x259: {  	[bflag:$0x3] =	sbarrier.arrive $0xFFFF  }
0x25a: {  	_ =	shalt  }

</sc_bundles>
